<compile_context>
chip_gen: v7x
topology: tpu7x:2x2x1
jax: 0.10.2.dev20260603
libtpu: 0.0.44.dev20260713+nightly
codegen_flags: <defaults>
</compile_context>

<pallas_src>
import functools

import jax
import jax.numpy as jnp
from jax import lax
from jax.experimental import pallas as pl
from jax.experimental.pallas import tpu as pltpu
from jax.experimental.pallas import tpu_sc as plsc

N = 10000
E = 320000
D = 128
DH = D // 2
ALPHA = 0.5
K = 2

NC = 2
NS = 16
NW = NC * NS
EB = 80

EPW = E // NW
NCHD = EPW // EB

EPT = E // NS
NCH = EPT // EB
NBUF = 6

RA = 624
RLAST = N - (NS - 1) * RA

_SC_PARAMS = pltpu.CompilerParams(use_tc_tiling_on_sc=False)



def _mesh():
    return plsc.VectorSubcoreMesh(
        core_axis_name="c", subcore_axis_name="s", num_cores=NC,
        num_subcores=NS,
    )


def _zero_slab(zeros_hbm, acc_sh, s):
    @pl.when(s < NS - 1)
    def _():
        pltpu.sync_copy(zeros_hbm.at[pl.ds(0, RA)],
                        acc_sh.at[pl.ds(s * RA, RA)])

    @pl.when(s == NS - 1)
    def _():
        pltpu.sync_copy(zeros_hbm.at[pl.ds(0, RLAST)],
                        acc_sh.at[pl.ds(s * RA, RLAST)])


def _copy_out_slab(acc_sh, out_hbm, c, s):
    @pl.when(s < NS - 1)
    def _():
        pltpu.sync_copy(acc_sh.at[pl.ds(s * RA, RA)],
                        out_hbm.at[c, pl.ds(s * RA, RA)])

    @pl.when(s == NS - 1)
    def _():
        pltpu.sync_copy(acc_sh.at[pl.ds(s * RA, RLAST)],
                        out_hbm.at[c, pl.ds(s * RA, RLAST)])


@functools.cache
def _sc_degree_call():
    return pl.kernel(
        _sc_degree_body,
        out_type=jax.ShapeDtypeStruct((NC, N, 16), jnp.float32),
        mesh=_mesh(),
        scratch_types=[
            pltpu.VMEM((NCHD, EB), jnp.int32),
            pltpu.VMEM((EB, 16), jnp.float32),
            pltpu.VMEM_SHARED((N, 16), jnp.float32),
            pltpu.SemaphoreType.DMA,
            pltpu.SemaphoreType.DMA,
        ],
        compiler_params=_SC_PARAMS,
    )


def _sc_degree_body(dst_hbm, ones_hbm, zeros_hbm, out_hbm, idx_v, ones_v,
                    acc_sh, lsem, ssem):
    c = lax.axis_index("c")
    s = lax.axis_index("s")
    wid = s * NC + c
    pltpu.async_copy(dst_hbm.at[wid], idx_v, lsem)
    pltpu.sync_copy(ones_hbm, ones_v)
    _zero_slab(zeros_hbm, acc_sh, s)
    pltpu.make_async_copy(dst_hbm.at[wid], idx_v, lsem).wait()
    plsc.subcore_barrier()

    def body(g, carry):
        ds = []
        for k in range(5):
            ds.append(
                pltpu.async_copy(
                    ones_v, acc_sh.at[idx_v.at[g * 5 + k]], ssem, add=True
                )
            )
        for d in ds:
            d.wait()
        return carry

    lax.fori_loop(0, NCHD // 5, body, 0)
    plsc.subcore_barrier()
    _copy_out_slab(acc_sh, out_hbm, c, s)


@functools.cache
def _sc_mega_call():
    return pl.kernel(
        _sc_mega_body,
        out_type=[
            jax.ShapeDtypeStruct((NC * N, DH), jnp.float32),
            jax.ShapeDtypeStruct((NC, N, DH), jnp.float32),
        ],
        mesh=_mesh(),
        scratch_types=[
            pltpu.VMEM((EPT,), jnp.int32),
            pltpu.VMEM((NCH, EB), jnp.int32),
            pltpu.VMEM((NBUF * EB, DH), jnp.float32),
            pltpu.VMEM((160, 16), jnp.float32),
            pltpu.VMEM_SHARED((N, DH), jnp.float32),
            pltpu.SemaphoreType.DMA,
            pltpu.SemaphoreType.DMA,
            pltpu.SemaphoreType.DMA,
        ],
        compiler_params=_SC_PARAMS,
    )


def _round(hs_ref, srcv, dstv, rows, acc_sh, gsem, ssem):
    for k in range(NBUF - 1):
        pltpu.async_copy(hs_ref.at[srcv.at[pl.ds(k * EB, EB)]],
                         rows.at[pl.ds(k * EB, EB)], gsem)

    def body(j, carry):
        @pl.when(j >= 1)
        def _():
            pltpu.make_async_copy(
                rows.at[pl.ds(((j - 1) % NBUF) * EB, EB)],
                acc_sh.at[dstv.at[j - 1]], ssem,
            ).wait()

        @pl.when(j + NBUF - 1 <= NCH - 1)
        def _():
            pltpu.async_copy(
                hs_ref.at[srcv.at[pl.ds((j + NBUF - 1) * EB, EB)]],
                rows.at[pl.ds(((j + NBUF - 1) % NBUF) * EB, EB)], gsem,
            )

        pltpu.make_async_copy(
            hs_ref.at[srcv.at[pl.ds(j * EB, EB)]],
            rows.at[pl.ds((j % NBUF) * EB, EB)], gsem,
        ).wait()
        pltpu.async_copy(rows.at[pl.ds((j % NBUF) * EB, EB)],
                         acc_sh.at[dstv.at[j]], ssem, add=True)
        return carry

    lax.fori_loop(0, NCH, body, 0)
    pltpu.make_async_copy(
        rows.at[pl.ds(((NCH - 1) % NBUF) * EB, EB)],
        acc_sh.at[dstv.at[NCH - 1]], ssem,
    ).wait()


def _mid_phase(g_hbm, a_hbm, zeros_hbm, hs2_hbm, rows, av, acc_sh, c, s, qs):

    def quarter(q, carry):
        base = s * RA + q * qs
        pltpu.sync_copy(acc_sh.at[pl.ds(base, qs)], rows.at[pl.ds(0, qs)])
        pltpu.sync_copy(g_hbm.at[pl.ds(c * N + base, qs)],
                        rows.at[pl.ds(160, qs)])
        pltpu.sync_copy(a_hbm.at[pl.ds(base, qs)], av.at[pl.ds(0, qs)])

        def row(r, carry2):
            a = av[r]
            for k in range(DH // 16):
                sl = pl.ds(k * 16, 16)
                rows[160 + r, sl] = rows[r, sl] * a + rows[160 + r, sl]
            return carry2

        lax.fori_loop(0, qs, row, 0)
        pltpu.sync_copy(rows.at[pl.ds(160, qs)],
                        hs2_hbm.at[pl.ds(c * N + base, qs)])
        pltpu.sync_copy(zeros_hbm.at[pl.ds(0, qs)], acc_sh.at[pl.ds(base, qs)])
        return carry

    lax.fori_loop(0, 4, quarter, 0)


def _sc_mega_body(src_hbm, dst_hbm, hs_hbm, g_hbm, a_hbm, zeros_hbm,
                  hs2_hbm, acc2_hbm, srcv, dstv, rows, av, acc_sh,
                  lsem, gsem, ssem):
    c = lax.axis_index("c")
    s = lax.axis_index("s")
    pltpu.async_copy(src_hbm.at[c, s], srcv, lsem)
    pltpu.async_copy(dst_hbm.at[s], dstv, lsem)
    _zero_slab(zeros_hbm, acc_sh, s)
    pltpu.make_async_copy(src_hbm.at[c, s], srcv, lsem).wait()
    pltpu.make_async_copy(dst_hbm.at[s], dstv, lsem).wait()
    plsc.subcore_barrier()

    _round(hs_hbm, srcv, dstv, rows, acc_sh, gsem, ssem)
    plsc.subcore_barrier()

    @pl.when(s < NS - 1)
    def _():
        _mid_phase(g_hbm, a_hbm, zeros_hbm, hs2_hbm, rows, av, acc_sh, c, s,
                   RA // 4)

    @pl.when(s == NS - 1)
    def _():
        _mid_phase(g_hbm, a_hbm, zeros_hbm, hs2_hbm, rows, av, acc_sh, c, s,
                   RLAST // 4)

    plsc.subcore_barrier()

    _round(hs2_hbm, srcv, dstv, rows, acc_sh, gsem, ssem)
    plsc.subcore_barrier()
    _copy_out_slab(acc_sh, acc2_hbm, c, s)



_RB = 1000
_GRID = N // _RB


def _norm_from_deg(deg_ref):
    deg = deg_ref[0, :, 0:1] + deg_ref[1, :, 0:1]
    deg = jnp.maximum(deg, 1.0)
    return lax.rsqrt(deg + 1.0)


def _mmprep_body(x_ref, wt_ref, b_ref, deg_ref, hs_ref, ri_ref, g_ref, a_ref):
    norm = _norm_from_deg(deg_ref)
    h = (
        jnp.dot(x_ref[...], wt_ref[...], preferred_element_type=jnp.float32)
        + b_ref[...]
    )
    n2 = norm * norm
    hs = h * norm
    hs_ref[0] = hs[:, :DH]
    hs_ref[1] = hs[:, DH:]
    ri = h * n2
    ri_ref[...] = ri
    g = norm * (ALPHA * ri + (1.0 - ALPHA) * h)
    g_ref[0] = g[:, :DH]
    g_ref[1] = g[:, DH:]
    a_ref[...] = jnp.broadcast_to(ALPHA * n2, (a_ref.shape[0], 16))


def _tc_mmprep(x, wt, b2, deg2):
    return pl.pallas_call(
        _mmprep_body,
        grid=(_GRID,),
        in_specs=[
            pl.BlockSpec((_RB, D), lambda i: (i, 0)),
            pl.BlockSpec((D, D), lambda i: (0, 0)),
            pl.BlockSpec((1, D), lambda i: (0, 0)),
            pl.BlockSpec((NC, _RB, 16), lambda i: (0, i, 0)),
        ],
        out_specs=[
            pl.BlockSpec((NC, _RB, DH), lambda i: (0, i, 0)),
            pl.BlockSpec((_RB, D), lambda i: (i, 0)),
            pl.BlockSpec((NC, _RB, DH), lambda i: (0, i, 0)),
            pl.BlockSpec((_RB, 16), lambda i: (i, 0)),
        ],
        out_shape=[
            jax.ShapeDtypeStruct((NC, N, DH), jnp.float32),
            jax.ShapeDtypeStruct((N, D), jnp.float32),
            jax.ShapeDtypeStruct((NC, N, DH), jnp.float32),
            jax.ShapeDtypeStruct((N, 16), jnp.float32),
        ],
    )(x, wt, b2, deg2)


def _final_body(acc_ref, hs2_ref, deg_ref, ri_ref, h_ref):
    deg = deg_ref[0, :, 0:1] + deg_ref[1, :, 0:1]
    deg = jnp.maximum(deg, 1.0) + 1.0
    norm = lax.rsqrt(deg)
    invn = jnp.sqrt(deg)
    acc = jnp.concatenate([acc_ref[0], acc_ref[1]], axis=1)
    h1 = jnp.concatenate([hs2_ref[0], hs2_ref[1]], axis=1) * invn
    h_ref[...] = (
        ALPHA * (acc * norm) + ALPHA * ri_ref[...] + (1.0 - ALPHA) * h1
    )


def _tc_final(acc2, hs2, deg2, ri):
    return pl.pallas_call(
        _final_body,
        grid=(_GRID,),
        in_specs=[
            pl.BlockSpec((NC, _RB, DH), lambda i: (0, i, 0)),
            pl.BlockSpec((NC, _RB, DH), lambda i: (0, i, 0)),
            pl.BlockSpec((NC, _RB, 16), lambda i: (0, i, 0)),
            pl.BlockSpec((_RB, D), lambda i: (i, 0)),
        ],
        out_specs=pl.BlockSpec((_RB, D), lambda i: (i, 0)),
        out_shape=jax.ShapeDtypeStruct((N, D), jnp.float32),
    )(acc2, hs2, deg2, ri)



def kernel(features, edge_index, W, b):
    src = edge_index[0]
    dst = edge_index[1]
    dst3d = dst.reshape(NW, NCHD, EB)
    src2 = jnp.stack([src, src + N]).reshape(NC, NS, EPT)
    dst3 = dst.reshape(NS, NCH, EB)
    ones16 = jnp.ones((EB, 16), jnp.float32)
    zrows = jnp.zeros((RLAST, DH), jnp.float32)
    zrows16 = jnp.zeros((RLAST, 16), jnp.float32)

    deg2 = _sc_degree_call()(dst3d, ones16, zrows16)
    hs1, ri, g, a16 = _tc_mmprep(features, W.T, b.reshape(1, D), deg2)
    hs2f, acc2 = _sc_mega_call()(
        src2, dst3, hs1.reshape(NC * N, DH), g.reshape(NC * N, DH), a16,
        zrows,
    )
    return _tc_final(acc2, hs2f.reshape(NC, N, DH), deg2, ri)

# --- scband reference (transcript-rebuilt; emitter-appended) ---
"""Pipeline reference for scband-vgcnblock-10247791968469 (READ-ONLY COPY).

The authoritative reference and input builder live on the scoring server;
editing this copy changes nothing except your own understanding.
"""

import jax, jax.numpy as jnp
import numpy as np

N_NODES = 10000
N_EDGES = 320000
D_IN = 128
D_OUT = 128
K = 2
ALPHA = 0.5


def setup_inputs(seed: int = 0) -> dict:
    key = jax.random.key(seed)
    k1, k2, k3 = jax.random.split(key, 3)
    features = jax.random.normal(k1, (N_NODES, D_IN), dtype=jnp.float32)
    rng = np.random.default_rng(0)
    edge_index = jnp.asarray(rng.integers(0, N_NODES, size=(2, N_EDGES)), dtype=jnp.int32)
    # Xavier-uniform linear weight (gain=1 for activation=None), zero bias
    limit = float(np.sqrt(6.0 / (D_IN + D_OUT)))
    W = jax.random.uniform(k2, (D_OUT, D_IN), dtype=jnp.float32, minval=-limit, maxval=limit)
    b = jnp.zeros((D_OUT,), dtype=jnp.float32)
    return {"features": features, "edge_index": edge_index, "W": W, "b": b}


def reference(features, edge_index, W, b):
    src = edge_index[0]
    dst = edge_index[1]
    n = features.shape[0]
    # in-degrees (messages aggregate at dst), clamped to min 1
    ones_e = jnp.ones((dst.shape[0],), dtype=jnp.float32)
    degs = jax.ops.segment_sum(ones_e, dst, num_segments=n)
    degs = jnp.clip(degs, 1.0, None)
    norm = jnp.power(degs + 1.0, -0.5)[:, None]
    # attention=False -> all-ones edge weights
    att = jnp.ones((edge_index.shape[1], 1), dtype=jnp.float32)
    # dropout p=0 -> identity
    h = features @ W.T + b
    h_pre = h
    ri = h * norm * norm
    for _ in range(K):
        h = h * norm
        m = h[src] * att
        h = jax.ops.segment_sum(m, dst, num_segments=n)
        h = h * norm
        h = ALPHA * h + ALPHA * ri + (1.0 - ALPHA) * h_pre
        h_pre = h
    # activation=None, residual=False
    return h

if __name__ == "__main__":
    import jax
    _d = setup_inputs()
    print(jax.jit(kernel)(*tuple(_d.values())))

</pallas_src>

<mosaic_0001>
#map = affine_map<(d0, d1) -> (0, 0, 0)>
#map1 = affine_map<(d0, d1) -> (0, 0)>
module attributes {stable_mosaic.version = 14 : i64} {
  func.func @_sc_degree_body(%arg0: i32, %arg1: i32, %arg2: memref<32x125x80xi32, #tpu.memory_space<hbm>>, %arg3: memref<80x16xf32, #tpu.memory_space<hbm>>, %arg4: memref<640x16xf32, #tpu.memory_space<hbm>>, %arg5: memref<2x10000x16xf32, #tpu.memory_space<hbm>>, %arg6: memref<125x80xi32, #tpu.memory_space<vmem>>, %arg7: memref<80x16xf32, #tpu.memory_space<vmem>>, %arg8: memref<10000x16xf32, #tpu.memory_space<vmem_shared>>, %arg9: memref<!tpu.dma_semaphore, #tpu.memory_space<semaphore_mem>>, %arg10: memref<!tpu.dma_semaphore, #tpu.memory_space<semaphore_mem>>) attributes {dimension_semantics = [#tpu.dimension_semantics<core_parallel>, #tpu.dimension_semantics<subcore_parallel>], iteration_bounds = array<i64: 2, 16>, scalar_prefetch = 0 : i64, scratch_operands = 5 : i64, tpu.core_type = #tpu.core_type<sc_vector_subcore>, window_params = [{transform_indices = #map}, {transform_indices = #map1}, {transform_indices = #map1}, {transform_indices = #map}]} {
    %mul3A = arith.constant 2 : i32
    %mul3A_0 = arith.muli %arg1, %mul3A : i32
    %add3A = arith.addi %mul3A_0, %arg0 : i32
    %dma_start3A = arith.constant 0 : i32
    %dma_start3A_1 = arith.constant 0 : i32
    %dma_start3A_2 = tpu.memref_slice %arg2[%add3A, %dma_start3A, %dma_start3A_1] : memref<32x125x80xi32, #tpu.memory_space<hbm>> -> memref<1x125x80xi32, #tpu.memory_space<hbm>>
    %dma_start3A_3 = tpu.memref_squeeze %dma_start3A_2 : memref<1x125x80xi32, #tpu.memory_space<hbm>> -> memref<125x80xi32, #tpu.memory_space<hbm>>
    %dma_start3A_4 = arith.constant 0 : i32
    %dma_start3A_5 = arith.constant 0 : i32
    %dma_start3A_6 = tpu.memref_slice %arg2[%add3A, %dma_start3A_4, %dma_start3A_5] : memref<32x125x80xi32, #tpu.memory_space<hbm>> -> memref<1x125x80xi32, #tpu.memory_space<hbm>>
    %dma_start3A_7 = tpu.memref_squeeze %dma_start3A_6 : memref<1x125x80xi32, #tpu.memory_space<hbm>> -> memref<125x80xi32, #tpu.memory_space<hbm>>
    tpu.enqueue_dma source(%dma_start3A_7 : memref<125x80xi32, #tpu.memory_space<hbm>>) target(%arg6 : memref<125x80xi32, #tpu.memory_space<vmem>>) target_semaphore(%arg9 : memref<!tpu.dma_semaphore, #tpu.memory_space<semaphore_mem>>)
    "tpu.region"() ({
      %run_scoped3A = tpu.sem_alloc : memref<!tpu.dma_semaphore, #tpu.memory_space<semaphore_mem>>
      tpu.enqueue_dma source(%arg3 : memref<80x16xf32, #tpu.memory_space<hbm>>) target(%arg7 : memref<80x16xf32, #tpu.memory_space<vmem>>) target_semaphore(%run_scoped3A : memref<!tpu.dma_semaphore, #tpu.memory_space<semaphore_mem>>)
      tpu.wait_dma2 semaphore(%run_scoped3A : memref<!tpu.dma_semaphore, #tpu.memory_space<semaphore_mem>>) src(%arg3 : memref<80x16xf32, #tpu.memory_space<hbm>>) dst(%arg7 : memref<80x16xf32, #tpu.memory_space<vmem>>)
      tpu.yield
    }) : () -> ()
    %lt3A = arith.constant 15 : i32
    %lt3A_8 = arith.cmpi slt, %arg1, %lt3A : i32
    %convert_element_type3A = arith.extui %lt3A_8 : i1 to i32
    %cond3A = arith.constant 0 : i32
    %cond3A_9 = arith.cmpi ne, %convert_element_type3A, %cond3A : i32
    scf.if %cond3A_9 {
      %mul3A_37 = arith.constant 624 : i32
      %mul3A_38 = arith.muli %arg1, %mul3A_37 : i32
      "tpu.region"() ({
        %run_scoped3A = tpu.sem_alloc : memref<!tpu.dma_semaphore, #tpu.memory_space<semaphore_mem>>
        %dma_start3A_39 = arith.constant 0 : i32
        %dma_start3A_40 = tpu.memref_slice %arg8[%mul3A_38, %dma_start3A_39] : memref<10000x16xf32, #tpu.memory_space<vmem_shared>> -> memref<624x16xf32, #tpu.memory_space<vmem_shared>>
        %dma_start3A_41 = arith.constant 0 : i32
        %dma_start3A_42 = arith.constant 0 : i32
        %dma_start3A_43 = tpu.memref_slice %arg4[%dma_start3A_41, %dma_start3A_42] : memref<640x16xf32, #tpu.memory_space<hbm>> -> memref<624x16xf32, #tpu.memory_space<hbm>>
        tpu.enqueue_dma source(%dma_start3A_43 : memref<624x16xf32, #tpu.memory_space<hbm>>) target(%dma_start3A_40 : memref<624x16xf32, #tpu.memory_space<vmem_shared>>) target_semaphore(%run_scoped3A : memref<!tpu.dma_semaphore, #tpu.memory_space<semaphore_mem>>)
        %dma_wait3A_44 = arith.constant 0 : i32
        %dma_wait3A_45 = tpu.memref_slice %arg8[%mul3A_38, %dma_wait3A_44] : memref<10000x16xf32, #tpu.memory_space<vmem_shared>> -> memref<624x16xf32, #tpu.memory_space<vmem_shared>>
        %dma_wait3A_46 = arith.constant 0 : i32
        %dma_wait3A_47 = arith.constant 0 : i32
        %dma_wait3A_48 = tpu.memref_slice %arg4[%dma_wait3A_46, %dma_wait3A_47] : memref<640x16xf32, #tpu.memory_space<hbm>> -> memref<624x16xf32, #tpu.memory_space<hbm>>
        tpu.wait_dma2 semaphore(%run_scoped3A : memref<!tpu.dma_semaphore, #tpu.memory_space<semaphore_mem>>) src(%dma_wait3A_48 : memref<624x16xf32, #tpu.memory_space<hbm>>) dst(%dma_wait3A_45 : memref<624x16xf32, #tpu.memory_space<vmem_shared>>)
        tpu.yield
      }) : () -> ()
    } else {
    }
    %eq3A = arith.constant 15 : i32
    %eq3A_10 = arith.cmpi eq, %arg1, %eq3A : i32
    %convert_element_type3A_11 = arith.extui %eq3A_10 : i1 to i32
    %cond3A_12 = arith.constant 0 : i32
    %cond3A_13 = arith.cmpi ne, %convert_element_type3A_11, %cond3A_12 : i32
    scf.if %cond3A_13 {
      %mul3A_37 = arith.constant 624 : i32
      %mul3A_38 = arith.muli %arg1, %mul3A_37 : i32
      "tpu.region"() ({
        %run_scoped3A = tpu.sem_alloc : memref<!tpu.dma_semaphore, #tpu.memory_space<semaphore_mem>>
        %dma_start3A_39 = arith.constant 0 : i32
        %dma_start3A_40 = tpu.memref_slice %arg8[%mul3A_38, %dma_start3A_39] : memref<10000x16xf32, #tpu.memory_space<vmem_shared>> -> memref<640x16xf32, #tpu.memory_space<vmem_shared>>
        %dma_start3A_41 = arith.constant 0 : i32
        %dma_start3A_42 = arith.constant 0 : i32
        %dma_start3A_43 = tpu.memref_slice %arg4[%dma_start3A_41, %dma_start3A_42] : memref<640x16xf32, #tpu.memory_space<hbm>> -> memref<640x16xf32, #tpu.memory_space<hbm>>
        tpu.enqueue_dma source(%dma_start3A_43 : memref<640x16xf32, #tpu.memory_space<hbm>>) target(%dma_start3A_40 : memref<640x16xf32, #tpu.memory_space<vmem_shared>>) target_semaphore(%run_scoped3A : memref<!tpu.dma_semaphore, #tpu.memory_space<semaphore_mem>>)
        %dma_wait3A_44 = arith.constant 0 : i32
        %dma_wait3A_45 = tpu.memref_slice %arg8[%mul3A_38, %dma_wait3A_44] : memref<10000x16xf32, #tpu.memory_space<vmem_shared>> -> memref<640x16xf32, #tpu.memory_space<vmem_shared>>
        %dma_wait3A_46 = arith.constant 0 : i32
        %dma_wait3A_47 = arith.constant 0 : i32
        %dma_wait3A_48 = tpu.memref_slice %arg4[%dma_wait3A_46, %dma_wait3A_47] : memref<640x16xf32, #tpu.memory_space<hbm>> -> memref<640x16xf32, #tpu.memory_space<hbm>>
        tpu.wait_dma2 semaphore(%run_scoped3A : memref<!tpu.dma_semaphore, #tpu.memory_space<semaphore_mem>>) src(%dma_wait3A_48 : memref<640x16xf32, #tpu.memory_space<hbm>>) dst(%dma_wait3A_45 : memref<640x16xf32, #tpu.memory_space<vmem_shared>>)
        tpu.yield
      }) : () -> ()
    } else {
    }
    %dma_wait3A = arith.constant 0 : i32
    %dma_wait3A_14 = arith.constant 0 : i32
    %dma_wait3A_15 = tpu.memref_slice %arg2[%add3A, %dma_wait3A, %dma_wait3A_14] : memref<32x125x80xi32, #tpu.memory_space<hbm>> -> memref<1x125x80xi32, #tpu.memory_space<hbm>>
    %dma_wait3A_16 = tpu.memref_squeeze %dma_wait3A_15 : memref<1x125x80xi32, #tpu.memory_space<hbm>> -> memref<125x80xi32, #tpu.memory_space<hbm>>
    %dma_wait3A_17 = arith.constant 0 : i32
    %dma_wait3A_18 = arith.constant 0 : i32
    %dma_wait3A_19 = tpu.memref_slice %arg2[%add3A, %dma_wait3A_17, %dma_wait3A_18] : memref<32x125x80xi32, #tpu.memory_space<hbm>> -> memref<1x125x80xi32, #tpu.memory_space<hbm>>
    %dma_wait3A_20 = tpu.memref_squeeze %dma_wait3A_19 : memref<1x125x80xi32, #tpu.memory_space<hbm>> -> memref<125x80xi32, #tpu.memory_space<hbm>>
    tpu.wait_dma2 semaphore(%arg9 : memref<!tpu.dma_semaphore, #tpu.memory_space<semaphore_mem>>) src(%dma_wait3A_20 : memref<125x80xi32, #tpu.memory_space<hbm>>) dst(%arg6 : memref<125x80xi32, #tpu.memory_space<vmem>>)
    %barrier3A = arith.constant 0 : index
    tpu.barrier barrier_id(%barrier3A)
    %scan3A = arith.constant 0 : i32
    %scan3A_21 = arith.constant 0 : i32
    %scan3A_22 = arith.constant 25 : i32
    %scan3A_23 = arith.addi %scan3A_21, %scan3A_22 : i32
    %scan3A_24 = arith.constant 1 : i32
    scf.for %scan3A_37 = %scan3A_21 to %scan3A_23 step %scan3A_24  : i32 {
      %mul3A_38 = arith.constant 5 : i32
      %mul3A_39 = arith.muli %scan3A_37, %mul3A_38 : i32
      %add3A_40 = arith.constant 0 : i32
      %add3A_41 = arith.addi %mul3A_39, %add3A_40 : i32
      %dma_start3A_42 = arith.constant 0 : i32
      %dma_start3A_43 = tpu.memref_slice %arg6[%add3A_41, %dma_start3A_42] : memref<125x80xi32, #tpu.memory_space<vmem>> -> memref<1x80xi32, #tpu.memory_space<vmem>>
      %dma_start3A_44 = tpu.memref_squeeze %dma_start3A_43 : memref<1x80xi32, #tpu.memory_space<vmem>> -> memref<80xi32, #tpu.memory_space<vmem>>
      %dma_start3A_45 = arith.constant 0 : i32
      %dma_start3A_46 = arith.constant 0 : i32
      %dma_start3A_47 = tpu.memref_slice %arg8[%dma_start3A_45, %dma_start3A_46] : memref<10000x16xf32, #tpu.memory_space<vmem_shared>> -> memref<10000x16xf32, #tpu.memory_space<vmem_shared>>
      tpu.enqueue_indirect_dma source(%arg7 : memref<80x16xf32, #tpu.memory_space<vmem>>) target(%dma_start3A_47 : memref<10000x16xf32, #tpu.memory_space<vmem_shared>>) offsets(%dma_start3A_44 : memref<80xi32, #tpu.memory_space<vmem>>) semaphore(%arg10 : memref<!tpu.dma_semaphore, #tpu.memory_space<semaphore_mem>>) {add = true}
      %mul3A_48 = arith.constant 5 : i32
      %mul3A_49 = arith.muli %scan3A_37, %mul3A_48 : i32
      %add3A_50 = arith.constant 1 : i32
      %add3A_51 = arith.addi %mul3A_49, %add3A_50 : i32
      %dma_start3A_52 = arith.constant 0 : i32
      %dma_start3A_53 = tpu.memref_slice %arg6[%add3A_51, %dma_start3A_52] : memref<125x80xi32, #tpu.memory_space<vmem>> -> memref<1x80xi32, #tpu.memory_space<vmem>>
      %dma_start3A_54 = tpu.memref_squeeze %dma_start3A_53 : memref<1x80xi32, #tpu.memory_space<vmem>> -> memref<80xi32, #tpu.memory_space<vmem>>
      %dma_start3A_55 = arith.constant 0 : i32
      %dma_start3A_56 = arith.constant 0 : i32
      %dma_start3A_57 = tpu.memref_slice %arg8[%dma_start3A_55, %dma_start3A_56] : memref<10000x16xf32, #tpu.memory_space<vmem_shared>> -> memref<10000x16xf32, #tpu.memory_space<vmem_shared>>
      tpu.enqueue_indirect_dma source(%arg7 : memref<80x16xf32, #tpu.memory_space<vmem>>) target(%dma_start3A_57 : memref<10000x16xf32, #tpu.memory_space<vmem_shared>>) offsets(%dma_start3A_54 : memref<80xi32, #tpu.memory_space<vmem>>) semaphore(%arg10 : memref<!tpu.dma_semaphore, #tpu.memory_space<semaphore_mem>>) {add = true}
      %mul3A_58 = arith.constant 5 : i32
      %mul3A_59 = arith.muli %scan3A_37, %mul3A_58 : i32
      %add3A_60 = arith.constant 2 : i32
      %add3A_61 = arith.addi %mul3A_59, %add3A_60 : i32
      %dma_start3A_62 = arith.constant 0 : i32
      %dma_start3A_63 = tpu.memref_slice %arg6[%add3A_61, %dma_start3A_62] : memref<125x80xi32, #tpu.memory_space<vmem>> -> memref<1x80xi32, #tpu.memory_space<vmem>>
      %dma_start3A_64 = tpu.memref_squeeze %dma_start3A_63 : memref<1x80xi32, #tpu.memory_space<vmem>> -> memref<80xi32, #tpu.memory_space<vmem>>
      %dma_start3A_65 = arith.constant 0 : i32
      %dma_start3A_66 = arith.constant 0 : i32
      %dma_start3A_67 = tpu.memref_slice %arg8[%dma_start3A_65, %dma_start3A_66] : memref<10000x16xf32, #tpu.memory_space<vmem_shared>> -> memref<10000x16xf32, #tpu.memory_space<vmem_shared>>
      tpu.enqueue_indirect_dma source(%arg7 : memref<80x16xf32, #tpu.memory_space<vmem>>) target(%dma_start3A_67 : memref<10000x16xf32, #tpu.memory_space<vmem_shared>>) offsets(%dma_start3A_64 : memref<80xi32, #tpu.memory_space<vmem>>) semaphore(%arg10 : memref<!tpu.dma_semaphore, #tpu.memory_space<semaphore_mem>>) {add = true}
      %mul3A_68 = arith.constant 5 : i32
      %mul3A_69 = arith.muli %scan3A_37, %mul3A_68 : i32
      %add3A_70 = arith.constant 3 : i32
      %add3A_71 = arith.addi %mul3A_69, %add3A_70 : i32
      %dma_start3A_72 = arith.constant 0 : i32
      %dma_start3A_73 = tpu.memref_slice %arg6[%add3A_71, %dma_start3A_72] : memref<125x80xi32, #tpu.memory_space<vmem>> -> memref<1x80xi32, #tpu.memory_space<vmem>>
      %dma_start3A_74 = tpu.memref_squeeze %dma_start3A_73 : memref<1x80xi32, #tpu.memory_space<vmem>> -> memref<80xi32, #tpu.memory_space<vmem>>
      %dma_start3A_75 = arith.constant 0 : i32
      %dma_start3A_76 = arith.constant 0 : i32
      %dma_start3A_77 = tpu.memref_slice %arg8[%dma_start3A_75, %dma_start3A_76] : memref<10000x16xf32, #tpu.memory_space<vmem_shared>> -> memref<10000x16xf32, #tpu.memory_space<vmem_shared>>
      tpu.enqueue_indirect_dma source(%arg7 : memref<80x16xf32, #tpu.memory_space<vmem>>) target(%dma_start3A_77 : memref<10000x16xf32, #tpu.memory_space<vmem_shared>>) offsets(%dma_start3A_74 : memref<80xi32, #tpu.memory_space<vmem>>) semaphore(%arg10 : memref<!tpu.dma_semaphore, #tpu.memory_space<semaphore_mem>>) {add = true}
      %mul3A_78 = arith.constant 5 : i32
      %mul3A_79 = arith.muli %scan3A_37, %mul3A_78 : i32
      %add3A_80 = arith.constant 4 : i32
      %add3A_81 = arith.addi %mul3A_79, %add3A_80 : i32
      %dma_start3A_82 = arith.constant 0 : i32
      %dma_start3A_83 = tpu.memref_slice %arg6[%add3A_81, %dma_start3A_82] : memref<125x80xi32, #tpu.memory_space<vmem>> -> memref<1x80xi32, #tpu.memory_space<vmem>>
      %dma_start3A_84 = tpu.memref_squeeze %dma_start3A_83 : memref<1x80xi32, #tpu.memory_space<vmem>> -> memref<80xi32, #tpu.memory_space<vmem>>
      %dma_start3A_85 = arith.constant 0 : i32
      %dma_start3A_86 = arith.constant 0 : i32
      %dma_start3A_87 = tpu.memref_slice %arg8[%dma_start3A_85, %dma_start3A_86] : memref<10000x16xf32, #tpu.memory_space<vmem_shared>> -> memref<10000x16xf32, #tpu.memory_space<vmem_shared>>
      tpu.enqueue_indirect_dma source(%arg7 : memref<80x16xf32, #tpu.memory_space<vmem>>) target(%dma_start3A_87 : memref<10000x16xf32, #tpu.memory_space<vmem_shared>>) offsets(%dma_start3A_84 : memref<80xi32, #tpu.memory_space<vmem>>) semaphore(%arg10 : memref<!tpu.dma_semaphore, #tpu.memory_space<semaphore_mem>>) {add = true}
      %dma_wait3A_88 = arith.constant 0 : i32
      %dma_wait3A_89 = tpu.memref_slice %arg6[%add3A_41, %dma_wait3A_88] : memref<125x80xi32, #tpu.memory_space<vmem>> -> memref<1x80xi32, #tpu.memory_space<vmem>>
      %dma_wait3A_90 = tpu.memref_squeeze %dma_wait3A_89 : memref<1x80xi32, #tpu.memory_space<vmem>> -> memref<80xi32, #tpu.memory_space<vmem>>
      %dma_wait3A_91 = arith.constant 0 : i32
      %dma_wait3A_92 = arith.constant 0 : i32
      %dma_wait3A_93 = tpu.memref_slice %arg8[%dma_wait3A_91, %dma_wait3A_92] : memref<10000x16xf32, #tpu.memory_space<vmem_shared>> -> memref<10000x16xf32, #tpu.memory_space<vmem_shared>>
      tpu.wait_indirect_dma semaphore(%arg10 : memref<!tpu.dma_semaphore, #tpu.memory_space<semaphore_mem>>) src(%arg7 : memref<80x16xf32, #tpu.memory_space<vmem>>) dst(%dma_wait3A_93 : memref<10000x16xf32, #tpu.memory_space<vmem_shared>>)
      %dma_wait3A_94 = arith.constant 0 : i32
      %dma_wait3A_95 = tpu.memref_slice %arg6[%add3A_51, %dma_wait3A_94] : memref<125x80xi32, #tpu.memory_space<vmem>> -> memref<1x80xi32, #tpu.memory_space<vmem>>
      %dma_wait3A_96 = tpu.memref_squeeze %dma_wait3A_95 : memref<1x80xi32, #tpu.memory_space<vmem>> -> memref<80xi32, #tpu.memory_space<vmem>>
      %dma_wait3A_97 = arith.constant 0 : i32
      %dma_wait3A_98 = arith.constant 0 : i32
      %dma_wait3A_99 = tpu.memref_slice %arg8[%dma_wait3A_97, %dma_wait3A_98] : memref<10000x16xf32, #tpu.memory_space<vmem_shared>> -> memref<10000x16xf32, #tpu.memory_space<vmem_shared>>
      tpu.wait_indirect_dma semaphore(%arg10 : memref<!tpu.dma_semaphore, #tpu.memory_space<semaphore_mem>>) src(%arg7 : memref<80x16xf32, #tpu.memory_space<vmem>>) dst(%dma_wait3A_99 : memref<10000x16xf32, #tpu.memory_space<vmem_shared>>)
      %dma_wait3A_100 = arith.constant 0 : i32
      %dma_wait3A_101 = tpu.memref_slice %arg6[%add3A_61, %dma_wait3A_100] : memref<125x80xi32, #tpu.memory_space<vmem>> -> memref<1x80xi32, #tpu.memory_space<vmem>>
      %dma_wait3A_102 = tpu.memref_squeeze %dma_wait3A_101 : memref<1x80xi32, #tpu.memory_space<vmem>> -> memref<80xi32, #tpu.memory_space<vmem>>
      %dma_wait3A_103 = arith.constant 0 : i32
      %dma_wait3A_104 = arith.constant 0 : i32
      %dma_wait3A_105 = tpu.memref_slice %arg8[%dma_wait3A_103, %dma_wait3A_104] : memref<10000x16xf32, #tpu.memory_space<vmem_shared>> -> memref<10000x16xf32, #tpu.memory_space<vmem_shared>>
      tpu.wait_indirect_dma semaphore(%arg10 : memref<!tpu.dma_semaphore, #tpu.memory_space<semaphore_mem>>) src(%arg7 : memref<80x16xf32, #tpu.memory_space<vmem>>) dst(%dma_wait3A_105 : memref<10000x16xf32, #tpu.memory_space<vmem_shared>>)
      %dma_wait3A_106 = arith.constant 0 : i32
      %dma_wait3A_107 = tpu.memref_slice %arg6[%add3A_71, %dma_wait3A_106] : memref<125x80xi32, #tpu.memory_space<vmem>> -> memref<1x80xi32, #tpu.memory_space<vmem>>
      %dma_wait3A_108 = tpu.memref_squeeze %dma_wait3A_107 : memref<1x80xi32, #tpu.memory_space<vmem>> -> memref<80xi32, #tpu.memory_space<vmem>>
      %dma_wait3A_109 = arith.constant 0 : i32
      %dma_wait3A_110 = arith.constant 0 : i32
      %dma_wait3A_111 = tpu.memref_slice %arg8[%dma_wait3A_109, %dma_wait3A_110] : memref<10000x16xf32, #tpu.memory_space<vmem_shared>> -> memref<10000x16xf32, #tpu.memory_space<vmem_shared>>
      tpu.wait_indirect_dma semaphore(%arg10 : memref<!tpu.dma_semaphore, #tpu.memory_space<semaphore_mem>>) src(%arg7 : memref<80x16xf32, #tpu.memory_space<vmem>>) dst(%dma_wait3A_111 : memref<10000x16xf32, #tpu.memory_space<vmem_shared>>)
      %dma_wait3A_112 = arith.constant 0 : i32
      %dma_wait3A_113 = tpu.memref_slice %arg6[%add3A_81, %dma_wait3A_112] : memref<125x80xi32, #tpu.memory_space<vmem>> -> memref<1x80xi32, #tpu.memory_space<vmem>>
      %dma_wait3A_114 = tpu.memref_squeeze %dma_wait3A_113 : memref<1x80xi32, #tpu.memory_space<vmem>> -> memref<80xi32, #tpu.memory_space<vmem>>
      %dma_wait3A_115 = arith.constant 0 : i32
      %dma_wait3A_116 = arith.constant 0 : i32
      %dma_wait3A_117 = tpu.memref_slice %arg8[%dma_wait3A_115, %dma_wait3A_116] : memref<10000x16xf32, #tpu.memory_space<vmem_shared>> -> memref<10000x16xf32, #tpu.memory_space<vmem_shared>>
      tpu.wait_indirect_dma semaphore(%arg10 : memref<!tpu.dma_semaphore, #tpu.memory_space<semaphore_mem>>) src(%arg7 : memref<80x16xf32, #tpu.memory_space<vmem>>) dst(%dma_wait3A_117 : memref<10000x16xf32, #tpu.memory_space<vmem_shared>>)
    }
    %scan3A_25 = arith.constant 25 : i32
    %barrier3A_26 = arith.constant 0 : index
    tpu.barrier barrier_id(%barrier3A_26)
    %lt3A_27 = arith.constant 15 : i32
    %lt3A_28 = arith.cmpi slt, %arg1, %lt3A_27 : i32
    %convert_element_type3A_29 = arith.extui %lt3A_28 : i1 to i32
    %cond3A_30 = arith.constant 0 : i32
    %cond3A_31 = arith.cmpi ne, %convert_element_type3A_29, %cond3A_30 : i32
    scf.if %cond3A_31 {
      %mul3A_37 = arith.constant 624 : i32
      %mul3A_38 = arith.muli %arg1, %mul3A_37 : i32
      %mul3A_39 = arith.constant 624 : i32
      %mul3A_40 = arith.muli %arg1, %mul3A_39 : i32
      "tpu.region"() ({
        %run_scoped3A = tpu.sem_alloc : memref<!tpu.dma_semaphore, #tpu.memory_space<semaphore_mem>>
        %dma_start3A_41 = arith.constant 0 : i32
        %dma_start3A_42 = tpu.memref_slice %arg5[%arg0, %mul3A_40, %dma_start3A_41] : memref<2x10000x16xf32, #tpu.memory_space<hbm>> -> memref<1x624x16xf32, #tpu.memory_space<hbm>>
        %dma_start3A_43 = tpu.memref_squeeze %dma_start3A_42 : memref<1x624x16xf32, #tpu.memory_space<hbm>> -> memref<624x16xf32, #tpu.memory_space<hbm>>
        %dma_start3A_44 = arith.constant 0 : i32
        %dma_start3A_45 = tpu.memref_slice %arg8[%mul3A_38, %dma_start3A_44] : memref<10000x16xf32, #tpu.memory_space<vmem_shared>> -> memref<624x16xf32, #tpu.memory_space<vmem_shared>>
        tpu.enqueue_dma source(%dma_start3A_45 : memref<624x16xf32, #tpu.memory_space<vmem_shared>>) target(%dma_start3A_43 : memref<624x16xf32, #tpu.memory_space<hbm>>) target_semaphore(%run_scoped3A : memref<!tpu.dma_semaphore, #tpu.memory_space<semaphore_mem>>)
        %dma_wait3A_46 = arith.constant 0 : i32
        %dma_wait3A_47 = tpu.memref_slice %arg5[%arg0, %mul3A_40, %dma_wait3A_46] : memref<2x10000x16xf32, #tpu.memory_space<hbm>> -> memref<1x624x16xf32, #tpu.memory_space<hbm>>
        %dma_wait3A_48 = tpu.memref_squeeze %dma_wait3A_47 : memref<1x624x16xf32, #tpu.memory_space<hbm>> -> memref<624x16xf32, #tpu.memory_space<hbm>>
        %dma_wait3A_49 = arith.constant 0 : i32
        %dma_wait3A_50 = tpu.memref_slice %arg8[%mul3A_38, %dma_wait3A_49] : memref<10000x16xf32, #tpu.memory_space<vmem_shared>> -> memref<624x16xf32, #tpu.memory_space<vmem_shared>>
        tpu.wait_dma2 semaphore(%run_scoped3A : memref<!tpu.dma_semaphore, #tpu.memory_space<semaphore_mem>>) src(%dma_wait3A_50 : memref<624x16xf32, #tpu.memory_space<vmem_shared>>) dst(%dma_wait3A_48 : memref<624x16xf32, #tpu.memory_space<hbm>>)
        tpu.yield
      }) : () -> ()
    } else {
    }
    %eq3A_32 = arith.constant 15 : i32
    %eq3A_33 = arith.cmpi eq, %arg1, %eq3A_32 : i32
    %convert_element_type3A_34 = arith.extui %eq3A_33 : i1 to i32
    %cond3A_35 = arith.constant 0 : i32
    %cond3A_36 = arith.cmpi ne, %convert_element_type3A_34, %cond3A_35 : i32
    scf.if %cond3A_36 {
      %mul3A_37 = arith.constant 624 : i32
      %mul3A_38 = arith.muli %arg1, %mul3A_37 : i32
      %mul3A_39 = arith.constant 624 : i32
      %mul3A_40 = arith.muli %arg1, %mul3A_39 : i32
      "tpu.region"() ({
        %run_scoped3A = tpu.sem_alloc : memref<!tpu.dma_semaphore, #tpu.memory_space<semaphore_mem>>
        %dma_start3A_41 = arith.constant 0 : i32
        %dma_start3A_42 = tpu.memref_slice %arg5[%arg0, %mul3A_40, %dma_start3A_41] : memref<2x10000x16xf32, #tpu.memory_space<hbm>> -> memref<1x640x16xf32, #tpu.memory_space<hbm>>
        %dma_start3A_43 = tpu.memref_squeeze %dma_start3A_42 : memref<1x640x16xf32, #tpu.memory_space<hbm>> -> memref<640x16xf32, #tpu.memory_space<hbm>>
        %dma_start3A_44 = arith.constant 0 : i32
        %dma_start3A_45 = tpu.memref_slice %arg8[%mul3A_38, %dma_start3A_44] : memref<10000x16xf32, #tpu.memory_space<vmem_shared>> -> memref<640x16xf32, #tpu.memory_space<vmem_shared>>
        tpu.enqueue_dma source(%dma_start3A_45 : memref<640x16xf32, #tpu.memory_space<vmem_shared>>) target(%dma_start3A_43 : memref<640x16xf32, #tpu.memory_space<hbm>>) target_semaphore(%run_scoped3A : memref<!tpu.dma_semaphore, #tpu.memory_space<semaphore_mem>>)
        %dma_wait3A_46 = arith.constant 0 : i32
        %dma_wait3A_47 = tpu.memref_slice %arg5[%arg0, %mul3A_40, %dma_wait3A_46] : memref<2x10000x16xf32, #tpu.memory_space<hbm>> -> memref<1x640x16xf32, #tpu.memory_space<hbm>>
        %dma_wait3A_48 = tpu.memref_squeeze %dma_wait3A_47 : memref<1x640x16xf32, #tpu.memory_space<hbm>> -> memref<640x16xf32, #tpu.memory_space<hbm>>
        %dma_wait3A_49 = arith.constant 0 : i32
        %dma_wait3A_50 = tpu.memref_slice %arg8[%mul3A_38, %dma_wait3A_49] : memref<10000x16xf32, #tpu.memory_space<vmem_shared>> -> memref<640x16xf32, #tpu.memory_space<vmem_shared>>
        tpu.wait_dma2 semaphore(%run_scoped3A : memref<!tpu.dma_semaphore, #tpu.memory_space<semaphore_mem>>) src(%dma_wait3A_50 : memref<640x16xf32, #tpu.memory_space<vmem_shared>>) dst(%dma_wait3A_48 : memref<640x16xf32, #tpu.memory_space<hbm>>)
        tpu.yield
      }) : () -> ()
    } else {
    }
    return
  }
}

#map = affine_map<(d0, d1) -> (0, 0, 0)>
#map1 = affine_map<(d0, d1) -> (0, 0)>
module attributes {stable_mosaic.version = 14 : i64} {
  func.func @_sc_mega_body(%arg0: i32, %arg1: i32, %arg2: memref<2x16x20000xi32, #tpu.memory_space<hbm>>, %arg3: memref<16x250x80xi32, #tpu.memory_space<hbm>>, %arg4: memref<20000x64xf32, #tpu.memory_space<hbm>>, %arg5: memref<20000x64xf32, #tpu.memory_space<hbm>>, %arg6: memref<10000x16xf32, #tpu.memory_space<hbm>>, %arg7: memref<640x64xf32, #tpu.memory_space<hbm>>, %arg8: memref<20000x64xf32, #tpu.memory_space<hbm>>, %arg9: memref<2x10000x64xf32, #tpu.memory_space<hbm>>, %arg10: memref<20000xi32, #tpu.memory_space<vmem>>, %arg11: memref<250x80xi32, #tpu.memory_space<vmem>>, %arg12: memref<480x64xf32, #tpu.memory_space<vmem>>, %arg13: memref<160x16xf32, #tpu.memory_space<vmem>>, %arg14: memref<10000x64xf32, #tpu.memory_space<vmem_shared>>, %arg15: memref<!tpu.dma_semaphore, #tpu.memory_space<semaphore_mem>>, %arg16: memref<!tpu.dma_semaphore, #tpu.memory_space<semaphore_mem>>, %arg17: memref<!tpu.dma_semaphore, #tpu.memory_space<semaphore_mem>>) attributes {dimension_semantics = [#tpu.dimension_semantics<core_parallel>, #tpu.dimension_semantics<subcore_parallel>], iteration_bounds = array<i64: 2, 16>, scalar_prefetch = 0 : i64, scratch_operands = 8 : i64, tpu.core_type = #tpu.core_type<sc_vector_subcore>, window_params = [{transform_indices = #map}, {transform_indices = #map}, {transform_indices = #map1}, {transform_indices = #map1}, {transform_indices = #map1}, {transform_indices = #map1}, {transform_indices = #map1}, {transform_indices = #map}]} {
    %dma_start3A = arith.constant 0 : i32
    %dma_start3A_0 = tpu.memref_slice %arg2[%arg0, %arg1, %dma_start3A] : memref<2x16x20000xi32, #tpu.memory_space<hbm>> -> memref<1x1x20000xi32, #tpu.memory_space<hbm>>
    %dma_start3A_1 = tpu.memref_squeeze %dma_start3A_0 : memref<1x1x20000xi32, #tpu.memory_space<hbm>> -> memref<20000xi32, #tpu.memory_space<hbm>>
    %dma_start3A_2 = arith.constant 0 : i32
    %dma_start3A_3 = tpu.memref_slice %arg2[%arg0, %arg1, %dma_start3A_2] : memref<2x16x20000xi32, #tpu.memory_space<hbm>> -> memref<1x1x20000xi32, #tpu.memory_space<hbm>>
    %dma_start3A_4 = tpu.memref_squeeze %dma_start3A_3 : memref<1x1x20000xi32, #tpu.memory_space<hbm>> -> memref<20000xi32, #tpu.memory_space<hbm>>
    tpu.enqueue_dma source(%dma_start3A_4 : memref<20000xi32, #tpu.memory_space<hbm>>) target(%arg10 : memref<20000xi32, #tpu.memory_space<vmem>>) target_semaphore(%arg15 : memref<!tpu.dma_semaphore, #tpu.memory_space<semaphore_mem>>)
    %dma_start3A_5 = arith.constant 0 : i32
    %dma_start3A_6 = arith.constant 0 : i32
    %dma_start3A_7 = tpu.memref_slice %arg3[%arg1, %dma_start3A_5, %dma_start3A_6] : memref<16x250x80xi32, #tpu.memory_space<hbm>> -> memref<1x250x80xi32, #tpu.memory_space<hbm>>
    %dma_start3A_8 = tpu.memref_squeeze %dma_start3A_7 : memref<1x250x80xi32, #tpu.memory_space<hbm>> -> memref<250x80xi32, #tpu.memory_space<hbm>>
    %dma_start3A_9 = arith.constant 0 : i32
    %dma_start3A_10 = arith.constant 0 : i32
    %dma_start3A_11 = tpu.memref_slice %arg3[%arg1, %dma_start3A_9, %dma_start3A_10] : memref<16x250x80xi32, #tpu.memory_space<hbm>> -> memref<1x250x80xi32, #tpu.memory_space<hbm>>
    %dma_start3A_12 = tpu.memref_squeeze %dma_start3A_11 : memref<1x250x80xi32, #tpu.memory_space<hbm>> -> memref<250x80xi32, #tpu.memory_space<hbm>>
    tpu.enqueue_dma source(%dma_start3A_12 : memref<250x80xi32, #tpu.memory_space<hbm>>) target(%arg11 : memref<250x80xi32, #tpu.memory_space<vmem>>) target_semaphore(%arg15 : memref<!tpu.dma_semaphore, #tpu.memory_space<semaphore_mem>>)
    %lt3A = arith.constant 15 : i32
    %lt3A_13 = arith.cmpi slt, %arg1, %lt3A : i32
    %convert_element_type3A = arith.extui %lt3A_13 : i1 to i32
    %cond3A = arith.constant 0 : i32
    %cond3A_14 = arith.cmpi ne, %convert_element_type3A, %cond3A : i32
    scf.if %cond3A_14 {
      %mul3A = arith.constant 624 : i32
      %mul3A_166 = arith.muli %arg1, %mul3A : i32
      "tpu.region"() ({
        %run_scoped3A = tpu.sem_alloc : memref<!tpu.dma_semaphore, #tpu.memory_space<semaphore_mem>>
        %dma_start3A_167 = arith.constant 0 : i32
        %dma_start3A_168 = tpu.memref_slice %arg14[%mul3A_166, %dma_start3A_167] : memref<10000x64xf32, #tpu.memory_space<vmem_shared>> -> memref<624x64xf32, #tpu.memory_space<vmem_shared>>
        %dma_start3A_169 = arith.constant 0 : i32
        %dma_start3A_170 = arith.constant 0 : i32
        %dma_start3A_171 = tpu.memref_slice %arg7[%dma_start3A_169, %dma_start3A_170] : memref<640x64xf32, #tpu.memory_space<hbm>> -> memref<624x64xf32, #tpu.memory_space<hbm>>
        tpu.enqueue_dma source(%dma_start3A_171 : memref<624x64xf32, #tpu.memory_space<hbm>>) target(%dma_start3A_168 : memref<624x64xf32, #tpu.memory_space<vmem_shared>>) target_semaphore(%run_scoped3A : memref<!tpu.dma_semaphore, #tpu.memory_space<semaphore_mem>>)
        %dma_wait3A_172 = arith.constant 0 : i32
        %dma_wait3A_173 = tpu.memref_slice %arg14[%mul3A_166, %dma_wait3A_172] : memref<10000x64xf32, #tpu.memory_space<vmem_shared>> -> memref<624x64xf32, #tpu.memory_space<vmem_shared>>
        %dma_wait3A_174 = arith.constant 0 : i32
        %dma_wait3A_175 = arith.constant 0 : i32
        %dma_wait3A_176 = tpu.memref_slice %arg7[%dma_wait3A_174, %dma_wait3A_175] : memref<640x64xf32, #tpu.memory_space<hbm>> -> memref<624x64xf32, #tpu.memory_space<hbm>>
        tpu.wait_dma2 semaphore(%run_scoped3A : memref<!tpu.dma_semaphore, #tpu.memory_space<semaphore_mem>>) src(%dma_wait3A_176 : memref<624x64xf32, #tpu.memory_space<hbm>>) dst(%dma_wait3A_173 : memref<624x64xf32, #tpu.memory_space<vmem_shared>>)
        tpu.yield
      }) : () -> ()
    } else {
    }
    %eq3A = arith.constant 15 : i32
    %eq3A_15 = arith.cmpi eq, %arg1, %eq3A : i32
    %convert_element_type3A_16 = arith.extui %eq3A_15 : i1 to i32
    %cond3A_17 = arith.constant 0 : i32
    %cond3A_18 = arith.cmpi ne, %convert_element_type3A_16, %cond3A_17 : i32
    scf.if %cond3A_18 {
      %mul3A = arith.constant 624 : i32
      %mul3A_166 = arith.muli %arg1, %mul3A : i32
      "tpu.region"() ({
        %run_scoped3A = tpu.sem_alloc : memref<!tpu.dma_semaphore, #tpu.memory_space<semaphore_mem>>
        %dma_start3A_167 = arith.constant 0 : i32
        %dma_start3A_168 = tpu.memref_slice %arg14[%mul3A_166, %dma_start3A_167] : memref<10000x64xf32, #tpu.memory_space<vmem_shared>> -> memref<640x64xf32, #tpu.memory_space<vmem_shared>>
        %dma_start3A_169 = arith.constant 0 : i32
        %dma_start3A_170 = arith.constant 0 : i32
        %dma_start3A_171 = tpu.memref_slice %arg7[%dma_start3A_169, %dma_start3A_170] : memref<640x64xf32, #tpu.memory_space<hbm>> -> memref<640x64xf32, #tpu.memory_space<hbm>>
        tpu.enqueue_dma source(%dma_start3A_171 : memref<640x64xf32, #tpu.memory_space<hbm>>) target(%dma_start3A_168 : memref<640x64xf32, #tpu.memory_space<vmem_shared>>) target_semaphore(%run_scoped3A : memref<!tpu.dma_semaphore, #tpu.memory_space<semaphore_mem>>)
        %dma_wait3A_172 = arith.constant 0 : i32
        %dma_wait3A_173 = tpu.memref_slice %arg14[%mul3A_166, %dma_wait3A_172] : memref<10000x64xf32, #tpu.memory_space<vmem_shared>> -> memref<640x64xf32, #tpu.memory_space<vmem_shared>>
        %dma_wait3A_174 = arith.constant 0 : i32
        %dma_wait3A_175 = arith.constant 0 : i32
        %dma_wait3A_176 = tpu.memref_slice %arg7[%dma_wait3A_174, %dma_wait3A_175] : memref<640x64xf32, #tpu.memory_space<hbm>> -> memref<640x64xf32, #tpu.memory_space<hbm>>
        tpu.wait_dma2 semaphore(%run_scoped3A : memref<!tpu.dma_semaphore, #tpu.memory_space<semaphore_mem>>) src(%dma_wait3A_176 : memref<640x64xf32, #tpu.memory_space<hbm>>) dst(%dma_wait3A_173 : memref<640x64xf32, #tpu.memory_space<vmem_shared>>)
        tpu.yield
      }) : () -> ()
    } else {
    }
    %dma_wait3A = arith.constant 0 : i32
    %dma_wait3A_19 = tpu.memref_slice %arg2[%arg0, %arg1, %dma_wait3A] : memref<2x16x20000xi32, #tpu.memory_space<hbm>> -> memref<1x1x20000xi32, #tpu.memory_space<hbm>>
    %dma_wait3A_20 = tpu.memref_squeeze %dma_wait3A_19 : memref<1x1x20000xi32, #tpu.memory_space<hbm>> -> memref<20000xi32, #tpu.memory_space<hbm>>
    %dma_wait3A_21 = arith.constant 0 : i32
    %dma_wait3A_22 = tpu.memref_slice %arg2[%arg0, %arg1, %dma_wait3A_21] : memref<2x16x20000xi32, #tpu.memory_space<hbm>> -> memref<1x1x20000xi32, #tpu.memory_space<hbm>>
    %dma_wait3A_23 = tpu.memref_squeeze %dma_wait3A_22 : memref<1x1x20000xi32, #tpu.memory_space<hbm>> -> memref<20000xi32, #tpu.memory_space<hbm>>
    tpu.wait_dma2 semaphore(%arg15 : memref<!tpu.dma_semaphore, #tpu.memory_space<semaphore_mem>>) src(%dma_wait3A_23 : memref<20000xi32, #tpu.memory_space<hbm>>) dst(%arg10 : memref<20000xi32, #tpu.memory_space<vmem>>)
    %dma_wait3A_24 = arith.constant 0 : i32
    %dma_wait3A_25 = arith.constant 0 : i32
    %dma_wait3A_26 = tpu.memref_slice %arg3[%arg1, %dma_wait3A_24, %dma_wait3A_25] : memref<16x250x80xi32, #tpu.memory_space<hbm>> -> memref<1x250x80xi32, #tpu.memory_space<hbm>>
    %dma_wait3A_27 = tpu.memref_squeeze %dma_wait3A_26 : memref<1x250x80xi32, #tpu.memory_space<hbm>> -> memref<250x80xi32, #tpu.memory_space<hbm>>
    %dma_wait3A_28 = arith.constant 0 : i32
    %dma_wait3A_29 = arith.constant 0 : i32
    %dma_wait3A_30 = tpu.memref_slice %arg3[%arg1, %dma_wait3A_28, %dma_wait3A_29] : memref<16x250x80xi32, #tpu.memory_space<hbm>> -> memref<1x250x80xi32, #tpu.memory_space<hbm>>
    %dma_wait3A_31 = tpu.memref_squeeze %dma_wait3A_30 : memref<1x250x80xi32, #tpu.memory_space<hbm>> -> memref<250x80xi32, #tpu.memory_space<hbm>>
    tpu.wait_dma2 semaphore(%arg15 : memref<!tpu.dma_semaphore, #tpu.memory_space<semaphore_mem>>) src(%dma_wait3A_31 : memref<250x80xi32, #tpu.memory_space<hbm>>) dst(%arg11 : memref<250x80xi32, #tpu.memory_space<vmem>>)
    %barrier3A = arith.constant 0 : index
    tpu.barrier barrier_id(%barrier3A)
    %dma_start3A_32 = arith.constant 0 : i32
    %dma_start3A_33 = arith.constant 0 : i32
    %dma_start3A_34 = tpu.memref_slice %arg12[%dma_start3A_32, %dma_start3A_33] : memref<480x64xf32, #tpu.memory_space<vmem>> -> memref<80x64xf32, #tpu.memory_space<vmem>>
    %dma_start3A_35 = arith.constant 0 : i32
    %dma_start3A_36 = tpu.memref_slice %arg10[%dma_start3A_35] : memref<20000xi32, #tpu.memory_space<vmem>> -> memref<80xi32, #tpu.memory_space<vmem>>
    %dma_start3A_37 = arith.constant 0 : i32
    %dma_start3A_38 = arith.constant 0 : i32
    %dma_start3A_39 = tpu.memref_slice %arg4[%dma_start3A_37, %dma_start3A_38] : memref<20000x64xf32, #tpu.memory_space<hbm>> -> memref<20000x64xf32, #tpu.memory_space<hbm>>
    tpu.enqueue_indirect_dma source(%dma_start3A_39 : memref<20000x64xf32, #tpu.memory_space<hbm>>) target(%dma_start3A_34 : memref<80x64xf32, #tpu.memory_space<vmem>>) offsets(%dma_start3A_36 : memref<80xi32, #tpu.memory_space<vmem>>) semaphore(%arg16 : memref<!tpu.dma_semaphore, #tpu.memory_space<semaphore_mem>>)
    %dma_start3A_40 = arith.constant 80 : i32
    %dma_start3A_41 = arith.constant 0 : i32
    %dma_start3A_42 = tpu.memref_slice %arg12[%dma_start3A_40, %dma_start3A_41] : memref<480x64xf32, #tpu.memory_space<vmem>> -> memref<80x64xf32, #tpu.memory_space<vmem>>
    %dma_start3A_43 = arith.constant 80 : i32
    %dma_start3A_44 = tpu.memref_slice %arg10[%dma_start3A_43] : memref<20000xi32, #tpu.memory_space<vmem>> -> memref<80xi32, #tpu.memory_space<vmem>>
    %dma_start3A_45 = arith.constant 0 : i32
    %dma_start3A_46 = arith.constant 0 : i32
    %dma_start3A_47 = tpu.memref_slice %arg4[%dma_start3A_45, %dma_start3A_46] : memref<20000x64xf32, #tpu.memory_space<hbm>> -> memref<20000x64xf32, #tpu.memory_space<hbm>>
    tpu.enqueue_indirect_dma source(%dma_start3A_47 : memref<20000x64xf32, #tpu.memory_space<hbm>>) target(%dma_start3A_42 : memref<80x64xf32, #tpu.memory_space<vmem>>) offsets(%dma_start3A_44 : memref<80xi32, #tpu.memory_space<vmem>>) semaphore(%arg16 : memref<!tpu.dma_semaphore, #tpu.memory_space<semaphore_mem>>)
    %dma_start3A_48 = arith.constant 160 : i32
    %dma_start3A_49 = arith.constant 0 : i32
    %dma_start3A_50 = tpu.memref_slice %arg12[%dma_start3A_48, %dma_start3A_49] : memref<480x64xf32, #tpu.memory_space<vmem>> -> memref<80x64xf32, #tpu.memory_space<vmem>>
    %dma_start3A_51 = arith.constant 160 : i32
    %dma_start3A_52 = tpu.memref_slice %arg10[%dma_start3A_51] : memref<20000xi32, #tpu.memory_space<vmem>> -> memref<80xi32, #tpu.memory_space<vmem>>
    %dma_start3A_53 = arith.constant 0 : i32
    %dma_start3A_54 = arith.constant 0 : i32
    %dma_start3A_55 = tpu.memref_slice %arg4[%dma_start3A_53, %dma_start3A_54] : memref<20000x64xf32, #tpu.memory_space<hbm>> -> memref<20000x64xf32, #tpu.memory_space<hbm>>
    tpu.enqueue_indirect_dma source(%dma_start3A_55 : memref<20000x64xf32, #tpu.memory_space<hbm>>) target(%dma_start3A_50 : memref<80x64xf32, #tpu.memory_space<vmem>>) offsets(%dma_start3A_52 : memref<80xi32, #tpu.memory_space<vmem>>) semaphore(%arg16 : memref<!tpu.dma_semaphore, #tpu.memory_space<semaphore_mem>>)
    %dma_start3A_56 = arith.constant 240 : i32
    %dma_start3A_57 = arith.constant 0 : i32
    %dma_start3A_58 = tpu.memref_slice %arg12[%dma_start3A_56, %dma_start3A_57] : memref<480x64xf32, #tpu.memory_space<vmem>> -> memref<80x64xf32, #tpu.memory_space<vmem>>
    %dma_start3A_59 = arith.constant 240 : i32
    %dma_start3A_60 = tpu.memref_slice %arg10[%dma_start3A_59] : memref<20000xi32, #tpu.memory_space<vmem>> -> memref<80xi32, #tpu.memory_space<vmem>>
    %dma_start3A_61 = arith.constant 0 : i32
    %dma_start3A_62 = arith.constant 0 : i32
    %dma_start3A_63 = tpu.memref_slice %arg4[%dma_start3A_61, %dma_start3A_62] : memref<20000x64xf32, #tpu.memory_space<hbm>> -> memref<20000x64xf32, #tpu.memory_space<hbm>>
    tpu.enqueue_indirect_dma source(%dma_start3A_63 : memref<20000x64xf32, #tpu.memory_space<hbm>>) target(%dma_start3A_58 : memref<80x64xf32, #tpu.memory_space<vmem>>) offsets(%dma_start3A_60 : memref<80xi32, #tpu.memory_space<vmem>>) semaphore(%arg16 : memref<!tpu.dma_semaphore, #tpu.memory_space<semaphore_mem>>)
    %dma_start3A_64 = arith.constant 320 : i32
    %dma_start3A_65 = arith.constant 0 : i32
    %dma_start3A_66 = tpu.memref_slice %arg12[%dma_start3A_64, %dma_start3A_65] : memref<480x64xf32, #tpu.memory_space<vmem>> -> memref<80x64xf32, #tpu.memory_space<vmem>>
    %dma_start3A_67 = arith.constant 320 : i32
    %dma_start3A_68 = tpu.memref_slice %arg10[%dma_start3A_67] : memref<20000xi32, #tpu.memory_space<vmem>> -> memref<80xi32, #tpu.memory_space<vmem>>
    %dma_start3A_69 = arith.constant 0 : i32
    %dma_start3A_70 = arith.constant 0 : i32
    %dma_start3A_71 = tpu.memref_slice %arg4[%dma_start3A_69, %dma_start3A_70] : memref<20000x64xf32, #tpu.memory_space<hbm>> -> memref<20000x64xf32, #tpu.memory_space<hbm>>
    tpu.enqueue_indirect_dma source(%dma_start3A_71 : memref<20000x64xf32, #tpu.memory_space<hbm>>) target(%dma_start3A_66 : memref<80x64xf32, #tpu.memory_space<vmem>>) offsets(%dma_start3A_68 : memref<80xi32, #tpu.memory_space<vmem>>) semaphore(%arg16 : memref<!tpu.dma_semaphore, #tpu.memory_space<semaphore_mem>>)
    %scan3A = arith.constant 0 : i32
    %scan3A_72 = arith.constant 0 : i32
    %scan3A_73 = arith.constant 250 : i32
    %scan3A_74 = arith.addi %scan3A_72, %scan3A_73 : i32
    %scan3A_75 = arith.constant 1 : i32
    scf.for %scan3A_166 = %scan3A_72 to %scan3A_74 step %scan3A_75  : i32 {
      %ge3A = arith.constant 1 : i32
      %ge3A_167 = arith.cmpi sge, %scan3A_166, %ge3A : i32
      %convert_element_type3A_168 = arith.extui %ge3A_167 : i1 to i32
      %cond3A_169 = arith.constant 0 : i32
      %cond3A_170 = arith.cmpi ne, %convert_element_type3A_168, %cond3A_169 : i32
      scf.if %cond3A_170 {
        %sub3A_223 = arith.constant 1 : i32
        %sub3A_224 = arith.subi %scan3A_166, %sub3A_223 : i32
        %jit3A_225 = arith.constant 6 : i32
        %eq3A_226 = arith.constant 0 : i32
        %eq3A_227 = arith.cmpi eq, %jit3A_225, %eq3A_226 : i32
        %jit3A_228 = arith.constant 1 : i32
        %select_n3A_229 = arith.select %eq3A_227, %jit3A_228, %jit3A_225 : i32
        %rem3A_230 = arith.remsi %sub3A_224, %select_n3A_229 : i32
        %ne3A_231 = arith.constant 0 : i32
        %ne3A_232 = arith.cmpi ne, %rem3A_230, %ne3A_231 : i32
        %lt3A_233 = arith.constant 0 : i32
        %lt3A_234 = arith.cmpi slt, %rem3A_230, %lt3A_233 : i32
        %lt3A_235 = arith.constant 0 : i32
        %lt3A_236 = arith.cmpi slt, %select_n3A_229, %lt3A_235 : i32
        %ne3A_237 = arith.xori %lt3A_234, %lt3A_236 : i1
        %and3A_238 = arith.andi %ne3A_237, %ne3A_232 : i1
        %add3A_239 = arith.addi %rem3A_230, %select_n3A_229 : i32
        %select_n3A_240 = arith.select %and3A_238, %add3A_239, %rem3A_230 : i32
        %mul3A_241 = arith.constant 80 : i32
        %mul3A_242 = arith.muli %select_n3A_240, %mul3A_241 : i32
        %sub3A_243 = arith.constant 1 : i32
        %sub3A_244 = arith.subi %scan3A_166, %sub3A_243 : i32
        %dma_wait3A_245 = arith.constant 0 : i32
        %dma_wait3A_246 = tpu.memref_slice %arg12[%mul3A_242, %dma_wait3A_245] : memref<480x64xf32, #tpu.memory_space<vmem>> -> memref<80x64xf32, #tpu.memory_space<vmem>>
        %dma_wait3A_247 = arith.constant 0 : i32
        %dma_wait3A_248 = tpu.memref_slice %arg11[%sub3A_244, %dma_wait3A_247] : memref<250x80xi32, #tpu.memory_space<vmem>> -> memref<1x80xi32, #tpu.memory_space<vmem>>
        %dma_wait3A_249 = tpu.memref_squeeze %dma_wait3A_248 : memref<1x80xi32, #tpu.memory_space<vmem>> -> memref<80xi32, #tpu.memory_space<vmem>>
        %dma_wait3A_250 = arith.constant 0 : i32
        %dma_wait3A_251 = arith.constant 0 : i32
        %dma_wait3A_252 = tpu.memref_slice %arg14[%dma_wait3A_250, %dma_wait3A_251] : memref<10000x64xf32, #tpu.memory_space<vmem_shared>> -> memref<10000x64xf32, #tpu.memory_space<vmem_shared>>
        tpu.wait_indirect_dma semaphore(%arg17 : memref<!tpu.dma_semaphore, #tpu.memory_space<semaphore_mem>>) src(%dma_wait3A_246 : memref<80x64xf32, #tpu.memory_space<vmem>>) dst(%dma_wait3A_252 : memref<10000x64xf32, #tpu.memory_space<vmem_shared>>)
      } else {
      }
      %add3A = arith.constant 6 : i32
      %add3A_171 = arith.addi %scan3A_166, %add3A : i32
      %sub3A = arith.constant 1 : i32
      %sub3A_172 = arith.subi %add3A_171, %sub3A : i32
      %le3A = arith.constant 249 : i32
      %le3A_173 = arith.cmpi sle, %sub3A_172, %le3A : i32
      %convert_element_type3A_174 = arith.extui %le3A_173 : i1 to i32
      %cond3A_175 = arith.constant 0 : i32
      %cond3A_176 = arith.cmpi ne, %convert_element_type3A_174, %cond3A_175 : i32
      scf.if %cond3A_176 {
        %add3A_223 = arith.constant 6 : i32
        %add3A_224 = arith.addi %scan3A_166, %add3A_223 : i32
        %sub3A_225 = arith.constant 1 : i32
        %sub3A_226 = arith.subi %add3A_224, %sub3A_225 : i32
        %mul3A_227 = arith.constant 80 : i32
        %mul3A_228 = arith.muli %sub3A_226, %mul3A_227 : i32
        %add3A_229 = arith.constant 6 : i32
        %add3A_230 = arith.addi %scan3A_166, %add3A_229 : i32
        %sub3A_231 = arith.constant 1 : i32
        %sub3A_232 = arith.subi %add3A_230, %sub3A_231 : i32
        %jit3A_233 = arith.constant 6 : i32
        %eq3A_234 = arith.constant 0 : i32
        %eq3A_235 = arith.cmpi eq, %jit3A_233, %eq3A_234 : i32
        %jit3A_236 = arith.constant 1 : i32
        %select_n3A_237 = arith.select %eq3A_235, %jit3A_236, %jit3A_233 : i32
        %rem3A_238 = arith.remsi %sub3A_232, %select_n3A_237 : i32
        %ne3A_239 = arith.constant 0 : i32
        %ne3A_240 = arith.cmpi ne, %rem3A_238, %ne3A_239 : i32
        %lt3A_241 = arith.constant 0 : i32
        %lt3A_242 = arith.cmpi slt, %rem3A_238, %lt3A_241 : i32
        %lt3A_243 = arith.constant 0 : i32
        %lt3A_244 = arith.cmpi slt, %select_n3A_237, %lt3A_243 : i32
        %ne3A_245 = arith.xori %lt3A_242, %lt3A_244 : i1
        %and3A_246 = arith.andi %ne3A_245, %ne3A_240 : i1
        %add3A_247 = arith.addi %rem3A_238, %select_n3A_237 : i32
        %select_n3A_248 = arith.select %and3A_246, %add3A_247, %rem3A_238 : i32
        %mul3A_249 = arith.constant 80 : i32
        %mul3A_250 = arith.muli %select_n3A_248, %mul3A_249 : i32
        %dma_start3A_251 = arith.constant 0 : i32
        %dma_start3A_252 = tpu.memref_slice %arg12[%mul3A_250, %dma_start3A_251] : memref<480x64xf32, #tpu.memory_space<vmem>> -> memref<80x64xf32, #tpu.memory_space<vmem>>
        %dma_start3A_253 = tpu.memref_slice %arg10[%mul3A_228] : memref<20000xi32, #tpu.memory_space<vmem>> -> memref<80xi32, #tpu.memory_space<vmem>>
        %dma_start3A_254 = arith.constant 0 : i32
        %dma_start3A_255 = arith.constant 0 : i32
        %dma_start3A_256 = tpu.memref_slice %arg4[%dma_start3A_254, %dma_start3A_255] : memref<20000x64xf32, #tpu.memory_space<hbm>> -> memref<20000x64xf32, #tpu.memory_space<hbm>>
        tpu.enqueue_indirect_dma source(%dma_start3A_256 : memref<20000x64xf32, #tpu.memory_space<hbm>>) target(%dma_start3A_252 : memref<80x64xf32, #tpu.memory_space<vmem>>) offsets(%dma_start3A_253 : memref<80xi32, #tpu.memory_space<vmem>>) semaphore(%arg16 : memref<!tpu.dma_semaphore, #tpu.memory_space<semaphore_mem>>)
      } else {
      }
      %mul3A = arith.constant 80 : i32
      %mul3A_177 = arith.muli %scan3A_166, %mul3A : i32
      %jit3A = arith.constant 6 : i32
      %eq3A_178 = arith.constant 0 : i32
      %eq3A_179 = arith.cmpi eq, %jit3A, %eq3A_178 : i32
      %jit3A_180 = arith.constant 1 : i32
      %select_n3A = arith.select %eq3A_179, %jit3A_180, %jit3A : i32
      %rem3A = arith.remsi %scan3A_166, %select_n3A : i32
      %ne3A = arith.constant 0 : i32
      %ne3A_181 = arith.cmpi ne, %rem3A, %ne3A : i32
      %lt3A_182 = arith.constant 0 : i32
      %lt3A_183 = arith.cmpi slt, %rem3A, %lt3A_182 : i32
      %lt3A_184 = arith.constant 0 : i32
      %lt3A_185 = arith.cmpi slt, %select_n3A, %lt3A_184 : i32
      %ne3A_186 = arith.xori %lt3A_183, %lt3A_185 : i1
      %and3A = arith.andi %ne3A_186, %ne3A_181 : i1
      %add3A_187 = arith.addi %rem3A, %select_n3A : i32
      %select_n3A_188 = arith.select %and3A, %add3A_187, %rem3A : i32
      %mul3A_189 = arith.constant 80 : i32
      %mul3A_190 = arith.muli %select_n3A_188, %mul3A_189 : i32
      %dma_wait3A_191 = arith.constant 0 : i32
      %dma_wait3A_192 = tpu.memref_slice %arg12[%mul3A_190, %dma_wait3A_191] : memref<480x64xf32, #tpu.memory_space<vmem>> -> memref<80x64xf32, #tpu.memory_space<vmem>>
      %dma_wait3A_193 = tpu.memref_slice %arg10[%mul3A_177] : memref<20000xi32, #tpu.memory_space<vmem>> -> memref<80xi32, #tpu.memory_space<vmem>>
      %dma_wait3A_194 = arith.constant 0 : i32
      %dma_wait3A_195 = arith.constant 0 : i32
      %dma_wait3A_196 = tpu.memref_slice %arg4[%dma_wait3A_194, %dma_wait3A_195] : memref<20000x64xf32, #tpu.memory_space<hbm>> -> memref<20000x64xf32, #tpu.memory_space<hbm>>
      tpu.wait_indirect_dma semaphore(%arg16 : memref<!tpu.dma_semaphore, #tpu.memory_space<semaphore_mem>>) src(%dma_wait3A_196 : memref<20000x64xf32, #tpu.memory_space<hbm>>) dst(%dma_wait3A_192 : memref<80x64xf32, #tpu.memory_space<vmem>>)
      %jit3A_197 = arith.constant 6 : i32
      %eq3A_198 = arith.constant 0 : i32
      %eq3A_199 = arith.cmpi eq, %jit3A_197, %eq3A_198 : i32
      %jit3A_200 = arith.constant 1 : i32
      %select_n3A_201 = arith.select %eq3A_199, %jit3A_200, %jit3A_197 : i32
      %rem3A_202 = arith.remsi %scan3A_166, %select_n3A_201 : i32
      %ne3A_203 = arith.constant 0 : i32
      %ne3A_204 = arith.cmpi ne, %rem3A_202, %ne3A_203 : i32
      %lt3A_205 = arith.constant 0 : i32
      %lt3A_206 = arith.cmpi slt, %rem3A_202, %lt3A_205 : i32
      %lt3A_207 = arith.constant 0 : i32
      %lt3A_208 = arith.cmpi slt, %select_n3A_201, %lt3A_207 : i32
      %ne3A_209 = arith.xori %lt3A_206, %lt3A_208 : i1
      %and3A_210 = arith.andi %ne3A_209, %ne3A_204 : i1
      %add3A_211 = arith.addi %rem3A_202, %select_n3A_201 : i32
      %select_n3A_212 = arith.select %and3A_210, %add3A_211, %rem3A_202 : i32
      %mul3A_213 = arith.constant 80 : i32
      %mul3A_214 = arith.muli %select_n3A_212, %mul3A_213 : i32
      %dma_start3A_215 = arith.constant 0 : i32
      %dma_start3A_216 = tpu.memref_slice %arg12[%mul3A_214, %dma_start3A_215] : memref<480x64xf32, #tpu.memory_space<vmem>> -> memref<80x64xf32, #tpu.memory_space<vmem>>
      %dma_start3A_217 = arith.constant 0 : i32
      %dma_start3A_218 = tpu.memref_slice %arg11[%scan3A_166, %dma_start3A_217] : memref<250x80xi32, #tpu.memory_space<vmem>> -> memref<1x80xi32, #tpu.memory_space<vmem>>
      %dma_start3A_219 = tpu.memref_squeeze %dma_start3A_218 : memref<1x80xi32, #tpu.memory_space<vmem>> -> memref<80xi32, #tpu.memory_space<vmem>>
      %dma_start3A_220 = arith.constant 0 : i32
      %dma_start3A_221 = arith.constant 0 : i32
      %dma_start3A_222 = tpu.memref_slice %arg14[%dma_start3A_220, %dma_start3A_221] : memref<10000x64xf32, #tpu.memory_space<vmem_shared>> -> memref<10000x64xf32, #tpu.memory_space<vmem_shared>>
      tpu.enqueue_indirect_dma source(%dma_start3A_216 : memref<80x64xf32, #tpu.memory_space<vmem>>) target(%dma_start3A_222 : memref<10000x64xf32, #tpu.memory_space<vmem_shared>>) offsets(%dma_start3A_219 : memref<80xi32, #tpu.memory_space<vmem>>) semaphore(%arg17 : memref<!tpu.dma_semaphore, #tpu.memory_space<semaphore_mem>>) {add = true}
    }
    %scan3A_76 = arith.constant 250 : i32
    %dma_wait3A_77 = arith.constant 249 : i32
    %dma_wait3A_78 = arith.constant 240 : i32
    %dma_wait3A_79 = arith.constant 0 : i32
    %dma_wait3A_80 = tpu.memref_slice %arg12[%dma_wait3A_78, %dma_wait3A_79] : memref<480x64xf32, #tpu.memory_space<vmem>> -> memref<80x64xf32, #tpu.memory_space<vmem>>
    %dma_wait3A_81 = arith.constant 0 : i32
    %dma_wait3A_82 = tpu.memref_slice %arg11[%dma_wait3A_77, %dma_wait3A_81] : memref<250x80xi32, #tpu.memory_space<vmem>> -> memref<1x80xi32, #tpu.memory_space<vmem>>
    %dma_wait3A_83 = tpu.memref_squeeze %dma_wait3A_82 : memref<1x80xi32, #tpu.memory_space<vmem>> -> memref<80xi32, #tpu.memory_space<vmem>>
    %dma_wait3A_84 = arith.constant 0 : i32
    %dma_wait3A_85 = arith.constant 0 : i32
    %dma_wait3A_86 = tpu.memref_slice %arg14[%dma_wait3A_84, %dma_wait3A_85] : memref<10000x64xf32, #tpu.memory_space<vmem_shared>> -> memref<10000x64xf32, #tpu.memory_space<vmem_shared>>
    tpu.wait_indirect_dma semaphore(%arg17 : memref<!tpu.dma_semaphore, #tpu.memory_space<semaphore_mem>>) src(%dma_wait3A_80 : memref<80x64xf32, #tpu.memory_space<vmem>>) dst(%dma_wait3A_86 : memref<10000x64xf32, #tpu.memory_space<vmem_shared>>)
    %barrier3A_87 = arith.constant 0 : index
    tpu.barrier barrier_id(%barrier3A_87)
    %lt3A_88 = arith.constant 15 : i32
    %lt3A_89 = arith.cmpi slt, %arg1, %lt3A_88 : i32
    %convert_element_type3A_90 = arith.extui %lt3A_89 : i1 to i32
    %cond3A_91 = arith.constant 0 : i32
    %cond3A_92 = arith.cmpi ne, %convert_element_type3A_90, %cond3A_91 : i32
    scf.if %cond3A_92 {
      %scan3A_166 = arith.constant 0 : i32
      %scan3A_167 = arith.constant 0 : i32
      %scan3A_168 = arith.constant 4 : i32
      %scan3A_169 = arith.addi %scan3A_167, %scan3A_168 : i32
      %scan3A_170 = arith.constant 1 : i32
      scf.for %scan3A_172 = %scan3A_167 to %scan3A_169 step %scan3A_170  : i32 {
        %mul3A = arith.constant 624 : i32
        %mul3A_173 = arith.muli %arg1, %mul3A : i32
        %mul3A_174 = arith.constant 156 : i32
        %mul3A_175 = arith.muli %scan3A_172, %mul3A_174 : i32
        %add3A = arith.addi %mul3A_173, %mul3A_175 : i32
        "tpu.region"() ({
          %run_scoped3A = tpu.sem_alloc : memref<!tpu.dma_semaphore, #tpu.memory_space<semaphore_mem>>
          %dma_start3A_188 = arith.constant 0 : i32
          %dma_start3A_189 = arith.constant 0 : i32
          %dma_start3A_190 = tpu.memref_slice %arg12[%dma_start3A_188, %dma_start3A_189] : memref<480x64xf32, #tpu.memory_space<vmem>> -> memref<156x64xf32, #tpu.memory_space<vmem>>
          %dma_start3A_191 = arith.constant 0 : i32
          %dma_start3A_192 = tpu.memref_slice %arg14[%add3A, %dma_start3A_191] : memref<10000x64xf32, #tpu.memory_space<vmem_shared>> -> memref<156x64xf32, #tpu.memory_space<vmem_shared>>
          %dma_start3A_193 = arith.constant 0 : i32
          %dma_start3A_194 = arith.constant 0 : i32
          %dma_start3A_195 = tpu.memref_slice %arg12[%dma_start3A_193, %dma_start3A_194] : memref<480x64xf32, #tpu.memory_space<vmem>> -> memref<156x64xf32, #tpu.memory_space<vmem>>
          %dma_start3A_196 = arith.constant 0 : i32
          %dma_start3A_197 = tpu.memref_slice %arg14[%add3A, %dma_start3A_196] : memref<10000x64xf32, #tpu.memory_space<vmem_shared>> -> memref<156x64xf32, #tpu.memory_space<vmem_shared>>
          tpu.enqueue_dma source(%dma_start3A_197 : memref<156x64xf32, #tpu.memory_space<vmem_shared>>) target(%dma_start3A_195 : memref<156x64xf32, #tpu.memory_space<vmem>>) target_semaphore(%run_scoped3A : memref<!tpu.dma_semaphore, #tpu.memory_space<semaphore_mem>>)
          %dma_wait3A_198 = arith.constant 0 : i32
          %dma_wait3A_199 = arith.constant 0 : i32
          %dma_wait3A_200 = tpu.memref_slice %arg12[%dma_wait3A_198, %dma_wait3A_199] : memref<480x64xf32, #tpu.memory_space<vmem>> -> memref<156x64xf32, #tpu.memory_space<vmem>>
          %dma_wait3A_201 = arith.constant 0 : i32
          %dma_wait3A_202 = tpu.memref_slice %arg14[%add3A, %dma_wait3A_201] : memref<10000x64xf32, #tpu.memory_space<vmem_shared>> -> memref<156x64xf32, #tpu.memory_space<vmem_shared>>
          %dma_wait3A_203 = arith.constant 0 : i32
          %dma_wait3A_204 = arith.constant 0 : i32
          %dma_wait3A_205 = tpu.memref_slice %arg12[%dma_wait3A_203, %dma_wait3A_204] : memref<480x64xf32, #tpu.memory_space<vmem>> -> memref<156x64xf32, #tpu.memory_space<vmem>>
          %dma_wait3A_206 = arith.constant 0 : i32
          %dma_wait3A_207 = tpu.memref_slice %arg14[%add3A, %dma_wait3A_206] : memref<10000x64xf32, #tpu.memory_space<vmem_shared>> -> memref<156x64xf32, #tpu.memory_space<vmem_shared>>
          tpu.wait_dma2 semaphore(%run_scoped3A : memref<!tpu.dma_semaphore, #tpu.memory_space<semaphore_mem>>) src(%dma_wait3A_207 : memref<156x64xf32, #tpu.memory_space<vmem_shared>>) dst(%dma_wait3A_205 : memref<156x64xf32, #tpu.memory_space<vmem>>)
          tpu.yield
        }) : () -> ()
        %mul3A_176 = arith.constant 10000 : i32
        %mul3A_177 = arith.muli %arg0, %mul3A_176 : i32
        %add3A_178 = arith.addi %mul3A_177, %add3A : i32
        "tpu.region"() ({
          %run_scoped3A = tpu.sem_alloc : memref<!tpu.dma_semaphore, #tpu.memory_space<semaphore_mem>>
          %dma_start3A_188 = arith.constant 160 : i32
          %dma_start3A_189 = arith.constant 0 : i32
          %dma_start3A_190 = tpu.memref_slice %arg12[%dma_start3A_188, %dma_start3A_189] : memref<480x64xf32, #tpu.memory_space<vmem>> -> memref<156x64xf32, #tpu.memory_space<vmem>>
          %dma_start3A_191 = arith.constant 0 : i32
          %dma_start3A_192 = tpu.memref_slice %arg5[%add3A_178, %dma_start3A_191] : memref<20000x64xf32, #tpu.memory_space<hbm>> -> memref<156x64xf32, #tpu.memory_space<hbm>>
          %dma_start3A_193 = arith.constant 160 : i32
          %dma_start3A_194 = arith.constant 0 : i32
          %dma_start3A_195 = tpu.memref_slice %arg12[%dma_start3A_193, %dma_start3A_194] : memref<480x64xf32, #tpu.memory_space<vmem>> -> memref<156x64xf32, #tpu.memory_space<vmem>>
          %dma_start3A_196 = arith.constant 0 : i32
          %dma_start3A_197 = tpu.memref_slice %arg5[%add3A_178, %dma_start3A_196] : memref<20000x64xf32, #tpu.memory_space<hbm>> -> memref<156x64xf32, #tpu.memory_space<hbm>>
          tpu.enqueue_dma source(%dma_start3A_197 : memref<156x64xf32, #tpu.memory_space<hbm>>) target(%dma_start3A_195 : memref<156x64xf32, #tpu.memory_space<vmem>>) target_semaphore(%run_scoped3A : memref<!tpu.dma_semaphore, #tpu.memory_space<semaphore_mem>>)
          %dma_wait3A_198 = arith.constant 160 : i32
          %dma_wait3A_199 = arith.constant 0 : i32
          %dma_wait3A_200 = tpu.memref_slice %arg12[%dma_wait3A_198, %dma_wait3A_199] : memref<480x64xf32, #tpu.memory_space<vmem>> -> memref<156x64xf32, #tpu.memory_space<vmem>>
          %dma_wait3A_201 = arith.constant 0 : i32
          %dma_wait3A_202 = tpu.memref_slice %arg5[%add3A_178, %dma_wait3A_201] : memref<20000x64xf32, #tpu.memory_space<hbm>> -> memref<156x64xf32, #tpu.memory_space<hbm>>
          %dma_wait3A_203 = arith.constant 160 : i32
          %dma_wait3A_204 = arith.constant 0 : i32
          %dma_wait3A_205 = tpu.memref_slice %arg12[%dma_wait3A_203, %dma_wait3A_204] : memref<480x64xf32, #tpu.memory_space<vmem>> -> memref<156x64xf32, #tpu.memory_space<vmem>>
          %dma_wait3A_206 = arith.constant 0 : i32
          %dma_wait3A_207 = tpu.memref_slice %arg5[%add3A_178, %dma_wait3A_206] : memref<20000x64xf32, #tpu.memory_space<hbm>> -> memref<156x64xf32, #tpu.memory_space<hbm>>
          tpu.wait_dma2 semaphore(%run_scoped3A : memref<!tpu.dma_semaphore, #tpu.memory_space<semaphore_mem>>) src(%dma_wait3A_207 : memref<156x64xf32, #tpu.memory_space<hbm>>) dst(%dma_wait3A_205 : memref<156x64xf32, #tpu.memory_space<vmem>>)
          tpu.yield
        }) : () -> ()
        "tpu.region"() ({
          %run_scoped3A = tpu.sem_alloc : memref<!tpu.dma_semaphore, #tpu.memory_space<semaphore_mem>>
          %dma_start3A_188 = arith.constant 0 : i32
          %dma_start3A_189 = arith.constant 0 : i32
          %dma_start3A_190 = tpu.memref_slice %arg13[%dma_start3A_188, %dma_start3A_189] : memref<160x16xf32, #tpu.memory_space<vmem>> -> memref<156x16xf32, #tpu.memory_space<vmem>>
          %dma_start3A_191 = arith.constant 0 : i32
          %dma_start3A_192 = tpu.memref_slice %arg6[%add3A, %dma_start3A_191] : memref<10000x16xf32, #tpu.memory_space<hbm>> -> memref<156x16xf32, #tpu.memory_space<hbm>>
          %dma_start3A_193 = arith.constant 0 : i32
          %dma_start3A_194 = arith.constant 0 : i32
          %dma_start3A_195 = tpu.memref_slice %arg13[%dma_start3A_193, %dma_start3A_194] : memref<160x16xf32, #tpu.memory_space<vmem>> -> memref<156x16xf32, #tpu.memory_space<vmem>>
          %dma_start3A_196 = arith.constant 0 : i32
          %dma_start3A_197 = tpu.memref_slice %arg6[%add3A, %dma_start3A_196] : memref<10000x16xf32, #tpu.memory_space<hbm>> -> memref<156x16xf32, #tpu.memory_space<hbm>>
          tpu.enqueue_dma source(%dma_start3A_197 : memref<156x16xf32, #tpu.memory_space<hbm>>) target(%dma_start3A_195 : memref<156x16xf32, #tpu.memory_space<vmem>>) target_semaphore(%run_scoped3A : memref<!tpu.dma_semaphore, #tpu.memory_space<semaphore_mem>>)
          %dma_wait3A_198 = arith.constant 0 : i32
          %dma_wait3A_199 = arith.constant 0 : i32
          %dma_wait3A_200 = tpu.memref_slice %arg13[%dma_wait3A_198, %dma_wait3A_199] : memref<160x16xf32, #tpu.memory_space<vmem>> -> memref<156x16xf32, #tpu.memory_space<vmem>>
          %dma_wait3A_201 = arith.constant 0 : i32
          %dma_wait3A_202 = tpu.memref_slice %arg6[%add3A, %dma_wait3A_201] : memref<10000x16xf32, #tpu.memory_space<hbm>> -> memref<156x16xf32, #tpu.memory_space<hbm>>
          %dma_wait3A_203 = arith.constant 0 : i32
          %dma_wait3A_204 = arith.constant 0 : i32
          %dma_wait3A_205 = tpu.memref_slice %arg13[%dma_wait3A_203, %dma_wait3A_204] : memref<160x16xf32, #tpu.memory_space<vmem>> -> memref<156x16xf32, #tpu.memory_space<vmem>>
          %dma_wait3A_206 = arith.constant 0 : i32
          %dma_wait3A_207 = tpu.memref_slice %arg6[%add3A, %dma_wait3A_206] : memref<10000x16xf32, #tpu.memory_space<hbm>> -> memref<156x16xf32, #tpu.memory_space<hbm>>
          tpu.wait_dma2 semaphore(%run_scoped3A : memref<!tpu.dma_semaphore, #tpu.memory_space<semaphore_mem>>) src(%dma_wait3A_207 : memref<156x16xf32, #tpu.memory_space<hbm>>) dst(%dma_wait3A_205 : memref<156x16xf32, #tpu.memory_space<vmem>>)
          tpu.yield
        }) : () -> ()
        %scan3A_179 = arith.constant 0 : i32
        %scan3A_180 = arith.constant 0 : i32
        %scan3A_181 = arith.constant 156 : i32
        %scan3A_182 = arith.addi %scan3A_180, %scan3A_181 : i32
        %scan3A_183 = arith.constant 1 : i32
        scf.for %scan3A_188 = %scan3A_180 to %scan3A_182 step %scan3A_183  : i32 {
          %get3A = arith.index_cast %scan3A_188 : i32 to index
          %get3A_189 = arith.constant 0 : index
          %get3A_190 = tpu.vector_load %arg13[%get3A, %get3A_189] {strides = array<i32>} : memref<160x16xf32, #tpu.memory_space<vmem>>, vector<1x16xf32>,
          %get3A_191 = vector.shape_cast %get3A_190 : vector<1x16xf32> to vector<16xf32>
          %get3A_192 = arith.index_cast %scan3A_188 : i32 to index
          %get3A_193 = arith.constant 0 : index
          %get3A_194 = tpu.vector_load %arg12[%get3A_192, %get3A_193] {strides = array<i32>} : memref<480x64xf32, #tpu.memory_space<vmem>>, vector<1x16xf32>,
          %get3A_195 = vector.shape_cast %get3A_194 : vector<1x16xf32> to vector<16xf32>
          %mul3A_196 = arith.mulf %get3A_195, %get3A_191 : vector<16xf32>
          %add3A_197 = arith.constant 160 : i32
          %add3A_198 = arith.addi %add3A_197, %scan3A_188 : i32
          %get3A_199 = arith.index_cast %add3A_198 : i32 to index
          %get3A_200 = arith.constant 0 : index
          %get3A_201 = tpu.vector_load %arg12[%get3A_199, %get3A_200] {strides = array<i32>} : memref<480x64xf32, #tpu.memory_space<vmem>>, vector<1x16xf32>,
          %get3A_202 = vector.shape_cast %get3A_201 : vector<1x16xf32> to vector<16xf32>
          %add3A_203 = arith.addf %mul3A_196, %get3A_202 : vector<16xf32>
          %add3A_204 = arith.constant 160 : i32
          %add3A_205 = arith.addi %add3A_204, %scan3A_188 : i32
          %swap3A = arith.index_cast %add3A_205 : i32 to index
          %swap3A_206 = arith.constant 0 : index
          %swap3A_207 = tpu.vector_load %arg12[%swap3A, %swap3A_206] {strides = array<i32>} : memref<480x64xf32, #tpu.memory_space<vmem>>, vector<1x16xf32>,
          %swap3A_208 = vector.shape_cast %swap3A_207 : vector<1x16xf32> to vector<16xf32>
          %swap3A_209 = vector.shape_cast %add3A_203 : vector<16xf32> to vector<1x16xf32>
          tpu.vector_store %arg12[%swap3A, %swap3A_206], %swap3A_209 {strides = array<i32>} : memref<480x64xf32, #tpu.memory_space<vmem>>, vector<1x16xf32>,
          %get3A_210 = arith.index_cast %scan3A_188 : i32 to index
          %get3A_211 = arith.constant 16 : index
          %get3A_212 = tpu.vector_load %arg12[%get3A_210, %get3A_211] {strides = array<i32>} : memref<480x64xf32, #tpu.memory_space<vmem>>, vector<1x16xf32>,
          %get3A_213 = vector.shape_cast %get3A_212 : vector<1x16xf32> to vector<16xf32>
          %mul3A_214 = arith.mulf %get3A_213, %get3A_191 : vector<16xf32>
          %add3A_215 = arith.constant 160 : i32
          %add3A_216 = arith.addi %add3A_215, %scan3A_188 : i32
          %get3A_217 = arith.index_cast %add3A_216 : i32 to index
          %get3A_218 = arith.constant 16 : index
          %get3A_219 = tpu.vector_load %arg12[%get3A_217, %get3A_218] {strides = array<i32>} : memref<480x64xf32, #tpu.memory_space<vmem>>, vector<1x16xf32>,
          %get3A_220 = vector.shape_cast %get3A_219 : vector<1x16xf32> to vector<16xf32>
          %add3A_221 = arith.addf %mul3A_214, %get3A_220 : vector<16xf32>
          %add3A_222 = arith.constant 160 : i32
          %add3A_223 = arith.addi %add3A_222, %scan3A_188 : i32
          %swap3A_224 = arith.index_cast %add3A_223 : i32 to index
          %swap3A_225 = arith.constant 16 : index
          %swap3A_226 = tpu.vector_load %arg12[%swap3A_224, %swap3A_225] {strides = array<i32>} : memref<480x64xf32, #tpu.memory_space<vmem>>, vector<1x16xf32>,
          %swap3A_227 = vector.shape_cast %swap3A_226 : vector<1x16xf32> to vector<16xf32>
          %swap3A_228 = vector.shape_cast %add3A_221 : vector<16xf32> to vector<1x16xf32>
          tpu.vector_store %arg12[%swap3A_224, %swap3A_225], %swap3A_228 {strides = array<i32>} : memref<480x64xf32, #tpu.memory_space<vmem>>, vector<1x16xf32>,
          %get3A_229 = arith.index_cast %scan3A_188 : i32 to index
          %get3A_230 = arith.constant 32 : index
          %get3A_231 = tpu.vector_load %arg12[%get3A_229, %get3A_230] {strides = array<i32>} : memref<480x64xf32, #tpu.memory_space<vmem>>, vector<1x16xf32>,
          %get3A_232 = vector.shape_cast %get3A_231 : vector<1x16xf32> to vector<16xf32>
          %mul3A_233 = arith.mulf %get3A_232, %get3A_191 : vector<16xf32>
          %add3A_234 = arith.constant 160 : i32
          %add3A_235 = arith.addi %add3A_234, %scan3A_188 : i32
          %get3A_236 = arith.index_cast %add3A_235 : i32 to index
          %get3A_237 = arith.constant 32 : index
          %get3A_238 = tpu.vector_load %arg12[%get3A_236, %get3A_237] {strides = array<i32>} : memref<480x64xf32, #tpu.memory_space<vmem>>, vector<1x16xf32>,
          %get3A_239 = vector.shape_cast %get3A_238 : vector<1x16xf32> to vector<16xf32>
          %add3A_240 = arith.addf %mul3A_233, %get3A_239 : vector<16xf32>
          %add3A_241 = arith.constant 160 : i32
          %add3A_242 = arith.addi %add3A_241, %scan3A_188 : i32
          %swap3A_243 = arith.index_cast %add3A_242 : i32 to index
          %swap3A_244 = arith.constant 32 : index
          %swap3A_245 = tpu.vector_load %arg12[%swap3A_243, %swap3A_244] {strides = array<i32>} : memref<480x64xf32, #tpu.memory_space<vmem>>, vector<1x16xf32>,
          %swap3A_246 = vector.shape_cast %swap3A_245 : vector<1x16xf32> to vector<16xf32>
          %swap3A_247 = vector.shape_cast %add3A_240 : vector<16xf32> to vector<1x16xf32>
          tpu.vector_store %arg12[%swap3A_243, %swap3A_244], %swap3A_247 {strides = array<i32>} : memref<480x64xf32, #tpu.memory_space<vmem>>, vector<1x16xf32>,
          %get3A_248 = arith.index_cast %scan3A_188 : i32 to index
          %get3A_249 = arith.constant 48 : index
          %get3A_250 = tpu.vector_load %arg12[%get3A_248, %get3A_249] {strides = array<i32>} : memref<480x64xf32, #tpu.memory_space<vmem>>, vector<1x16xf32>,
          %get3A_251 = vector.shape_cast %get3A_250 : vector<1x16xf32> to vector<16xf32>
          %mul3A_252 = arith.mulf %get3A_251, %get3A_191 : vector<16xf32>
          %add3A_253 = arith.constant 160 : i32
          %add3A_254 = arith.addi %add3A_253, %scan3A_188 : i32
          %get3A_255 = arith.index_cast %add3A_254 : i32 to index
          %get3A_256 = arith.constant 48 : index
          %get3A_257 = tpu.vector_load %arg12[%get3A_255, %get3A_256] {strides = array<i32>} : memref<480x64xf32, #tpu.memory_space<vmem>>, vector<1x16xf32>,
          %get3A_258 = vector.shape_cast %get3A_257 : vector<1x16xf32> to vector<16xf32>
          %add3A_259 = arith.addf %mul3A_252, %get3A_258 : vector<16xf32>
          %add3A_260 = arith.constant 160 : i32
          %add3A_261 = arith.addi %add3A_260, %scan3A_188 : i32
          %swap3A_262 = arith.index_cast %add3A_261 : i32 to index
          %swap3A_263 = arith.constant 48 : index
          %swap3A_264 = tpu.vector_load %arg12[%swap3A_262, %swap3A_263] {strides = array<i32>} : memref<480x64xf32, #tpu.memory_space<vmem>>, vector<1x16xf32>,
          %swap3A_265 = vector.shape_cast %swap3A_264 : vector<1x16xf32> to vector<16xf32>
          %swap3A_266 = vector.shape_cast %add3A_259 : vector<16xf32> to vector<1x16xf32>
          tpu.vector_store %arg12[%swap3A_262, %swap3A_263], %swap3A_266 {strides = array<i32>} : memref<480x64xf32, #tpu.memory_space<vmem>>, vector<1x16xf32>,
        }
        %scan3A_184 = arith.constant 156 : i32
        %mul3A_185 = arith.constant 10000 : i32
        %mul3A_186 = arith.muli %arg0, %mul3A_185 : i32
        %add3A_187 = arith.addi %mul3A_186, %add3A : i32
        "tpu.region"() ({
          %run_scoped3A = tpu.sem_alloc : memref<!tpu.dma_semaphore, #tpu.memory_space<semaphore_mem>>
          %dma_start3A_188 = arith.constant 160 : i32
          %dma_start3A_189 = arith.constant 0 : i32
          %dma_start3A_190 = tpu.memref_slice %arg12[%dma_start3A_188, %dma_start3A_189] : memref<480x64xf32, #tpu.memory_space<vmem>> -> memref<156x64xf32, #tpu.memory_space<vmem>>
          %dma_start3A_191 = arith.constant 0 : i32
          %dma_start3A_192 = tpu.memref_slice %arg8[%add3A_187, %dma_start3A_191] : memref<20000x64xf32, #tpu.memory_space<hbm>> -> memref<156x64xf32, #tpu.memory_space<hbm>>
          %dma_start3A_193 = arith.constant 0 : i32
          %dma_start3A_194 = tpu.memref_slice %arg8[%add3A_187, %dma_start3A_193] : memref<20000x64xf32, #tpu.memory_space<hbm>> -> memref<156x64xf32, #tpu.memory_space<hbm>>
          %dma_start3A_195 = arith.constant 160 : i32
          %dma_start3A_196 = arith.constant 0 : i32
          %dma_start3A_197 = tpu.memref_slice %arg12[%dma_start3A_195, %dma_start3A_196] : memref<480x64xf32, #tpu.memory_space<vmem>> -> memref<156x64xf32, #tpu.memory_space<vmem>>
          tpu.enqueue_dma source(%dma_start3A_197 : memref<156x64xf32, #tpu.memory_space<vmem>>) target(%dma_start3A_194 : memref<156x64xf32, #tpu.memory_space<hbm>>) target_semaphore(%run_scoped3A : memref<!tpu.dma_semaphore, #tpu.memory_space<semaphore_mem>>)
          %dma_wait3A_198 = arith.constant 160 : i32
          %dma_wait3A_199 = arith.constant 0 : i32
          %dma_wait3A_200 = tpu.memref_slice %arg12[%dma_wait3A_198, %dma_wait3A_199] : memref<480x64xf32, #tpu.memory_space<vmem>> -> memref<156x64xf32, #tpu.memory_space<vmem>>
          %dma_wait3A_201 = arith.constant 0 : i32
          %dma_wait3A_202 = tpu.memref_slice %arg8[%add3A_187, %dma_wait3A_201] : memref<20000x64xf32, #tpu.memory_space<hbm>> -> memref<156x64xf32, #tpu.memory_space<hbm>>
          %dma_wait3A_203 = arith.constant 0 : i32
          %dma_wait3A_204 = tpu.memref_slice %arg8[%add3A_187, %dma_wait3A_203] : memref<20000x64xf32, #tpu.memory_space<hbm>> -> memref<156x64xf32, #tpu.memory_space<hbm>>
          %dma_wait3A_205 = arith.constant 160 : i32
          %dma_wait3A_206 = arith.constant 0 : i32
          %dma_wait3A_207 = tpu.memref_slice %arg12[%dma_wait3A_205, %dma_wait3A_206] : memref<480x64xf32, #tpu.memory_space<vmem>> -> memref<156x64xf32, #tpu.memory_space<vmem>>
          tpu.wait_dma2 semaphore(%run_scoped3A : memref<!tpu.dma_semaphore, #tpu.memory_space<semaphore_mem>>) src(%dma_wait3A_207 : memref<156x64xf32, #tpu.memory_space<vmem>>) dst(%dma_wait3A_204 : memref<156x64xf32, #tpu.memory_space<hbm>>)
          tpu.yield
        }) : () -> ()
        "tpu.region"() ({
          %run_scoped3A = tpu.sem_alloc : memref<!tpu.dma_semaphore, #tpu.memory_space<semaphore_mem>>
          %dma_start3A_188 = arith.constant 0 : i32
          %dma_start3A_189 = tpu.memref_slice %arg14[%add3A, %dma_start3A_188] : memref<10000x64xf32, #tpu.memory_space<vmem_shared>> -> memref<156x64xf32, #tpu.memory_space<vmem_shared>>
          %dma_start3A_190 = arith.constant 0 : i32
          %dma_start3A_191 = arith.constant 0 : i32
          %dma_start3A_192 = tpu.memref_slice %arg7[%dma_start3A_190, %dma_start3A_191] : memref<640x64xf32, #tpu.memory_space<hbm>> -> memref<156x64xf32, #tpu.memory_space<hbm>>
          tpu.enqueue_dma source(%dma_start3A_192 : memref<156x64xf32, #tpu.memory_space<hbm>>) target(%dma_start3A_189 : memref<156x64xf32, #tpu.memory_space<vmem_shared>>) target_semaphore(%run_scoped3A : memref<!tpu.dma_semaphore, #tpu.memory_space<semaphore_mem>>)
          %dma_wait3A_193 = arith.constant 0 : i32
          %dma_wait3A_194 = tpu.memref_slice %arg14[%add3A, %dma_wait3A_193] : memref<10000x64xf32, #tpu.memory_space<vmem_shared>> -> memref<156x64xf32, #tpu.memory_space<vmem_shared>>
          %dma_wait3A_195 = arith.constant 0 : i32
          %dma_wait3A_196 = arith.constant 0 : i32
          %dma_wait3A_197 = tpu.memref_slice %arg7[%dma_wait3A_195, %dma_wait3A_196] : memref<640x64xf32, #tpu.memory_space<hbm>> -> memref<156x64xf32, #tpu.memory_space<hbm>>
          tpu.wait_dma2 semaphore(%run_scoped3A : memref<!tpu.dma_semaphore, #tpu.memory_space<semaphore_mem>>) src(%dma_wait3A_197 : memref<156x64xf32, #tpu.memory_space<hbm>>) dst(%dma_wait3A_194 : memref<156x64xf32, #tpu.memory_space<vmem_shared>>)
          tpu.yield
        }) : () -> ()
      }
      %scan3A_171 = arith.constant 4 : i32
    } else {
    }
    %eq3A_93 = arith.constant 15 : i32
    %eq3A_94 = arith.cmpi eq, %arg1, %eq3A_93 : i32
    %convert_element_type3A_95 = arith.extui %eq3A_94 : i1 to i32
    %cond3A_96 = arith.constant 0 : i32
    %cond3A_97 = arith.cmpi ne, %convert_element_type3A_95, %cond3A_96 : i32
    scf.if %cond3A_97 {
      %scan3A_166 = arith.constant 0 : i32
      %scan3A_167 = arith.constant 0 : i32
      %scan3A_168 = arith.constant 4 : i32
      %scan3A_169 = arith.addi %scan3A_167, %scan3A_168 : i32
      %scan3A_170 = arith.constant 1 : i32
      scf.for %scan3A_172 = %scan3A_167 to %scan3A_169 step %scan3A_170  : i32 {
        %mul3A = arith.constant 624 : i32
        %mul3A_173 = arith.muli %arg1, %mul3A : i32
        %mul3A_174 = arith.constant 160 : i32
        %mul3A_175 = arith.muli %scan3A_172, %mul3A_174 : i32
        %add3A = arith.addi %mul3A_173, %mul3A_175 : i32
        "tpu.region"() ({
          %run_scoped3A = tpu.sem_alloc : memref<!tpu.dma_semaphore, #tpu.memory_space<semaphore_mem>>
          %dma_start3A_188 = arith.constant 0 : i32
          %dma_start3A_189 = arith.constant 0 : i32
          %dma_start3A_190 = tpu.memref_slice %arg12[%dma_start3A_188, %dma_start3A_189] : memref<480x64xf32, #tpu.memory_space<vmem>> -> memref<160x64xf32, #tpu.memory_space<vmem>>
          %dma_start3A_191 = arith.constant 0 : i32
          %dma_start3A_192 = tpu.memref_slice %arg14[%add3A, %dma_start3A_191] : memref<10000x64xf32, #tpu.memory_space<vmem_shared>> -> memref<160x64xf32, #tpu.memory_space<vmem_shared>>
          %dma_start3A_193 = arith.constant 0 : i32
          %dma_start3A_194 = arith.constant 0 : i32
          %dma_start3A_195 = tpu.memref_slice %arg12[%dma_start3A_193, %dma_start3A_194] : memref<480x64xf32, #tpu.memory_space<vmem>> -> memref<160x64xf32, #tpu.memory_space<vmem>>
          %dma_start3A_196 = arith.constant 0 : i32
          %dma_start3A_197 = tpu.memref_slice %arg14[%add3A, %dma_start3A_196] : memref<10000x64xf32, #tpu.memory_space<vmem_shared>> -> memref<160x64xf32, #tpu.memory_space<vmem_shared>>
          tpu.enqueue_dma source(%dma_start3A_197 : memref<160x64xf32, #tpu.memory_space<vmem_shared>>) target(%dma_start3A_195 : memref<160x64xf32, #tpu.memory_space<vmem>>) target_semaphore(%run_scoped3A : memref<!tpu.dma_semaphore, #tpu.memory_space<semaphore_mem>>)
          %dma_wait3A_198 = arith.constant 0 : i32
          %dma_wait3A_199 = arith.constant 0 : i32
          %dma_wait3A_200 = tpu.memref_slice %arg12[%dma_wait3A_198, %dma_wait3A_199] : memref<480x64xf32, #tpu.memory_space<vmem>> -> memref<160x64xf32, #tpu.memory_space<vmem>>
          %dma_wait3A_201 = arith.constant 0 : i32
          %dma_wait3A_202 = tpu.memref_slice %arg14[%add3A, %dma_wait3A_201] : memref<10000x64xf32, #tpu.memory_space<vmem_shared>> -> memref<160x64xf32, #tpu.memory_space<vmem_shared>>
          %dma_wait3A_203 = arith.constant 0 : i32
          %dma_wait3A_204 = arith.constant 0 : i32
          %dma_wait3A_205 = tpu.memref_slice %arg12[%dma_wait3A_203, %dma_wait3A_204] : memref<480x64xf32, #tpu.memory_space<vmem>> -> memref<160x64xf32, #tpu.memory_space<vmem>>
          %dma_wait3A_206 = arith.constant 0 : i32
          %dma_wait3A_207 = tpu.memref_slice %arg14[%add3A, %dma_wait3A_206] : memref<10000x64xf32, #tpu.memory_space<vmem_shared>> -> memref<160x64xf32, #tpu.memory_space<vmem_shared>>
          tpu.wait_dma2 semaphore(%run_scoped3A : memref<!tpu.dma_semaphore, #tpu.memory_space<semaphore_mem>>) src(%dma_wait3A_207 : memref<160x64xf32, #tpu.memory_space<vmem_shared>>) dst(%dma_wait3A_205 : memref<160x64xf32, #tpu.memory_space<vmem>>)
          tpu.yield
        }) : () -> ()
        %mul3A_176 = arith.constant 10000 : i32
        %mul3A_177 = arith.muli %arg0, %mul3A_176 : i32
        %add3A_178 = arith.addi %mul3A_177, %add3A : i32
        "tpu.region"() ({
          %run_scoped3A = tpu.sem_alloc : memref<!tpu.dma_semaphore, #tpu.memory_space<semaphore_mem>>
          %dma_start3A_188 = arith.constant 160 : i32
          %dma_start3A_189 = arith.constant 0 : i32
          %dma_start3A_190 = tpu.memref_slice %arg12[%dma_start3A_188, %dma_start3A_189] : memref<480x64xf32, #tpu.memory_space<vmem>> -> memref<160x64xf32, #tpu.memory_space<vmem>>
          %dma_start3A_191 = arith.constant 0 : i32
          %dma_start3A_192 = tpu.memref_slice %arg5[%add3A_178, %dma_start3A_191] : memref<20000x64xf32, #tpu.memory_space<hbm>> -> memref<160x64xf32, #tpu.memory_space<hbm>>
          %dma_start3A_193 = arith.constant 160 : i32
          %dma_start3A_194 = arith.constant 0 : i32
          %dma_start3A_195 = tpu.memref_slice %arg12[%dma_start3A_193, %dma_start3A_194] : memref<480x64xf32, #tpu.memory_space<vmem>> -> memref<160x64xf32, #tpu.memory_space<vmem>>
          %dma_start3A_196 = arith.constant 0 : i32
          %dma_start3A_197 = tpu.memref_slice %arg5[%add3A_178, %dma_start3A_196] : memref<20000x64xf32, #tpu.memory_space<hbm>> -> memref<160x64xf32, #tpu.memory_space<hbm>>
          tpu.enqueue_dma source(%dma_start3A_197 : memref<160x64xf32, #tpu.memory_space<hbm>>) target(%dma_start3A_195 : memref<160x64xf32, #tpu.memory_space<vmem>>) target_semaphore(%run_scoped3A : memref<!tpu.dma_semaphore, #tpu.memory_space<semaphore_mem>>)
          %dma_wait3A_198 = arith.constant 160 : i32
          %dma_wait3A_199 = arith.constant 0 : i32
          %dma_wait3A_200 = tpu.memref_slice %arg12[%dma_wait3A_198, %dma_wait3A_199] : memref<480x64xf32, #tpu.memory_space<vmem>> -> memref<160x64xf32, #tpu.memory_space<vmem>>
          %dma_wait3A_201 = arith.constant 0 : i32
          %dma_wait3A_202 = tpu.memref_slice %arg5[%add3A_178, %dma_wait3A_201] : memref<20000x64xf32, #tpu.memory_space<hbm>> -> memref<160x64xf32, #tpu.memory_space<hbm>>
          %dma_wait3A_203 = arith.constant 160 : i32
          %dma_wait3A_204 = arith.constant 0 : i32
          %dma_wait3A_205 = tpu.memref_slice %arg12[%dma_wait3A_203, %dma_wait3A_204] : memref<480x64xf32, #tpu.memory_space<vmem>> -> memref<160x64xf32, #tpu.memory_space<vmem>>
          %dma_wait3A_206 = arith.constant 0 : i32
          %dma_wait3A_207 = tpu.memref_slice %arg5[%add3A_178, %dma_wait3A_206] : memref<20000x64xf32, #tpu.memory_space<hbm>> -> memref<160x64xf32, #tpu.memory_space<hbm>>
          tpu.wait_dma2 semaphore(%run_scoped3A : memref<!tpu.dma_semaphore, #tpu.memory_space<semaphore_mem>>) src(%dma_wait3A_207 : memref<160x64xf32, #tpu.memory_space<hbm>>) dst(%dma_wait3A_205 : memref<160x64xf32, #tpu.memory_space<vmem>>)
          tpu.yield
        }) : () -> ()
        "tpu.region"() ({
          %run_scoped3A = tpu.sem_alloc : memref<!tpu.dma_semaphore, #tpu.memory_space<semaphore_mem>>
          %dma_start3A_188 = arith.constant 0 : i32
          %dma_start3A_189 = arith.constant 0 : i32
          %dma_start3A_190 = tpu.memref_slice %arg13[%dma_start3A_188, %dma_start3A_189] : memref<160x16xf32, #tpu.memory_space<vmem>> -> memref<160x16xf32, #tpu.memory_space<vmem>>
          %dma_start3A_191 = arith.constant 0 : i32
          %dma_start3A_192 = tpu.memref_slice %arg6[%add3A, %dma_start3A_191] : memref<10000x16xf32, #tpu.memory_space<hbm>> -> memref<160x16xf32, #tpu.memory_space<hbm>>
          %dma_start3A_193 = arith.constant 0 : i32
          %dma_start3A_194 = arith.constant 0 : i32
          %dma_start3A_195 = tpu.memref_slice %arg13[%dma_start3A_193, %dma_start3A_194] : memref<160x16xf32, #tpu.memory_space<vmem>> -> memref<160x16xf32, #tpu.memory_space<vmem>>
          %dma_start3A_196 = arith.constant 0 : i32
          %dma_start3A_197 = tpu.memref_slice %arg6[%add3A, %dma_start3A_196] : memref<10000x16xf32, #tpu.memory_space<hbm>> -> memref<160x16xf32, #tpu.memory_space<hbm>>
          tpu.enqueue_dma source(%dma_start3A_197 : memref<160x16xf32, #tpu.memory_space<hbm>>) target(%dma_start3A_195 : memref<160x16xf32, #tpu.memory_space<vmem>>) target_semaphore(%run_scoped3A : memref<!tpu.dma_semaphore, #tpu.memory_space<semaphore_mem>>)
          %dma_wait3A_198 = arith.constant 0 : i32
          %dma_wait3A_199 = arith.constant 0 : i32
          %dma_wait3A_200 = tpu.memref_slice %arg13[%dma_wait3A_198, %dma_wait3A_199] : memref<160x16xf32, #tpu.memory_space<vmem>> -> memref<160x16xf32, #tpu.memory_space<vmem>>
          %dma_wait3A_201 = arith.constant 0 : i32
          %dma_wait3A_202 = tpu.memref_slice %arg6[%add3A, %dma_wait3A_201] : memref<10000x16xf32, #tpu.memory_space<hbm>> -> memref<160x16xf32, #tpu.memory_space<hbm>>
          %dma_wait3A_203 = arith.constant 0 : i32
          %dma_wait3A_204 = arith.constant 0 : i32
          %dma_wait3A_205 = tpu.memref_slice %arg13[%dma_wait3A_203, %dma_wait3A_204] : memref<160x16xf32, #tpu.memory_space<vmem>> -> memref<160x16xf32, #tpu.memory_space<vmem>>
          %dma_wait3A_206 = arith.constant 0 : i32
          %dma_wait3A_207 = tpu.memref_slice %arg6[%add3A, %dma_wait3A_206] : memref<10000x16xf32, #tpu.memory_space<hbm>> -> memref<160x16xf32, #tpu.memory_space<hbm>>
          tpu.wait_dma2 semaphore(%run_scoped3A : memref<!tpu.dma_semaphore, #tpu.memory_space<semaphore_mem>>) src(%dma_wait3A_207 : memref<160x16xf32, #tpu.memory_space<hbm>>) dst(%dma_wait3A_205 : memref<160x16xf32, #tpu.memory_space<vmem>>)
          tpu.yield
        }) : () -> ()
        %scan3A_179 = arith.constant 0 : i32
        %scan3A_180 = arith.constant 0 : i32
        %scan3A_181 = arith.constant 160 : i32
        %scan3A_182 = arith.addi %scan3A_180, %scan3A_181 : i32
        %scan3A_183 = arith.constant 1 : i32
        scf.for %scan3A_188 = %scan3A_180 to %scan3A_182 step %scan3A_183  : i32 {
          %get3A = arith.index_cast %scan3A_188 : i32 to index
          %get3A_189 = arith.constant 0 : index
          %get3A_190 = tpu.vector_load %arg13[%get3A, %get3A_189] {strides = array<i32>} : memref<160x16xf32, #tpu.memory_space<vmem>>, vector<1x16xf32>,
          %get3A_191 = vector.shape_cast %get3A_190 : vector<1x16xf32> to vector<16xf32>
          %get3A_192 = arith.index_cast %scan3A_188 : i32 to index
          %get3A_193 = arith.constant 0 : index
          %get3A_194 = tpu.vector_load %arg12[%get3A_192, %get3A_193] {strides = array<i32>} : memref<480x64xf32, #tpu.memory_space<vmem>>, vector<1x16xf32>,
          %get3A_195 = vector.shape_cast %get3A_194 : vector<1x16xf32> to vector<16xf32>
          %mul3A_196 = arith.mulf %get3A_195, %get3A_191 : vector<16xf32>
          %add3A_197 = arith.constant 160 : i32
          %add3A_198 = arith.addi %add3A_197, %scan3A_188 : i32
          %get3A_199 = arith.index_cast %add3A_198 : i32 to index
          %get3A_200 = arith.constant 0 : index
          %get3A_201 = tpu.vector_load %arg12[%get3A_199, %get3A_200] {strides = array<i32>} : memref<480x64xf32, #tpu.memory_space<vmem>>, vector<1x16xf32>,
          %get3A_202 = vector.shape_cast %get3A_201 : vector<1x16xf32> to vector<16xf32>
          %add3A_203 = arith.addf %mul3A_196, %get3A_202 : vector<16xf32>
          %add3A_204 = arith.constant 160 : i32
          %add3A_205 = arith.addi %add3A_204, %scan3A_188 : i32
          %swap3A = arith.index_cast %add3A_205 : i32 to index
          %swap3A_206 = arith.constant 0 : index
          %swap3A_207 = tpu.vector_load %arg12[%swap3A, %swap3A_206] {strides = array<i32>} : memref<480x64xf32, #tpu.memory_space<vmem>>, vector<1x16xf32>,
          %swap3A_208 = vector.shape_cast %swap3A_207 : vector<1x16xf32> to vector<16xf32>
          %swap3A_209 = vector.shape_cast %add3A_203 : vector<16xf32> to vector<1x16xf32>
          tpu.vector_store %arg12[%swap3A, %swap3A_206], %swap3A_209 {strides = array<i32>} : memref<480x64xf32, #tpu.memory_space<vmem>>, vector<1x16xf32>,
          %get3A_210 = arith.index_cast %scan3A_188 : i32 to index
          %get3A_211 = arith.constant 16 : index
          %get3A_212 = tpu.vector_load %arg12[%get3A_210, %get3A_211] {strides = array<i32>} : memref<480x64xf32, #tpu.memory_space<vmem>>, vector<1x16xf32>,
          %get3A_213 = vector.shape_cast %get3A_212 : vector<1x16xf32> to vector<16xf32>
          %mul3A_214 = arith.mulf %get3A_213, %get3A_191 : vector<16xf32>
          %add3A_215 = arith.constant 160 : i32
          %add3A_216 = arith.addi %add3A_215, %scan3A_188 : i32
          %get3A_217 = arith.index_cast %add3A_216 : i32 to index
          %get3A_218 = arith.constant 16 : index
          %get3A_219 = tpu.vector_load %arg12[%get3A_217, %get3A_218] {strides = array<i32>} : memref<480x64xf32, #tpu.memory_space<vmem>>, vector<1x16xf32>,
          %get3A_220 = vector.shape_cast %get3A_219 : vector<1x16xf32> to vector<16xf32>
          %add3A_221 = arith.addf %mul3A_214, %get3A_220 : vector<16xf32>
          %add3A_222 = arith.constant 160 : i32
          %add3A_223 = arith.addi %add3A_222, %scan3A_188 : i32
          %swap3A_224 = arith.index_cast %add3A_223 : i32 to index
          %swap3A_225 = arith.constant 16 : index
          %swap3A_226 = tpu.vector_load %arg12[%swap3A_224, %swap3A_225] {strides = array<i32>} : memref<480x64xf32, #tpu.memory_space<vmem>>, vector<1x16xf32>,
          %swap3A_227 = vector.shape_cast %swap3A_226 : vector<1x16xf32> to vector<16xf32>
          %swap3A_228 = vector.shape_cast %add3A_221 : vector<16xf32> to vector<1x16xf32>
          tpu.vector_store %arg12[%swap3A_224, %swap3A_225], %swap3A_228 {strides = array<i32>} : memref<480x64xf32, #tpu.memory_space<vmem>>, vector<1x16xf32>,
          %get3A_229 = arith.index_cast %scan3A_188 : i32 to index
          %get3A_230 = arith.constant 32 : index
          %get3A_231 = tpu.vector_load %arg12[%get3A_229, %get3A_230] {strides = array<i32>} : memref<480x64xf32, #tpu.memory_space<vmem>>, vector<1x16xf32>,
          %get3A_232 = vector.shape_cast %get3A_231 : vector<1x16xf32> to vector<16xf32>
          %mul3A_233 = arith.mulf %get3A_232, %get3A_191 : vector<16xf32>
          %add3A_234 = arith.constant 160 : i32
          %add3A_235 = arith.addi %add3A_234, %scan3A_188 : i32
          %get3A_236 = arith.index_cast %add3A_235 : i32 to index
          %get3A_237 = arith.constant 32 : index
          %get3A_238 = tpu.vector_load %arg12[%get3A_236, %get3A_237] {strides = array<i32>} : memref<480x64xf32, #tpu.memory_space<vmem>>, vector<1x16xf32>,
          %get3A_239 = vector.shape_cast %get3A_238 : vector<1x16xf32> to vector<16xf32>
          %add3A_240 = arith.addf %mul3A_233, %get3A_239 : vector<16xf32>
          %add3A_241 = arith.constant 160 : i32
          %add3A_242 = arith.addi %add3A_241, %scan3A_188 : i32
          %swap3A_243 = arith.index_cast %add3A_242 : i32 to index
          %swap3A_244 = arith.constant 32 : index
          %swap3A_245 = tpu.vector_load %arg12[%swap3A_243, %swap3A_244] {strides = array<i32>} : memref<480x64xf32, #tpu.memory_space<vmem>>, vector<1x16xf32>,
          %swap3A_246 = vector.shape_cast %swap3A_245 : vector<1x16xf32> to vector<16xf32>
          %swap3A_247 = vector.shape_cast %add3A_240 : vector<16xf32> to vector<1x16xf32>
          tpu.vector_store %arg12[%swap3A_243, %swap3A_244], %swap3A_247 {strides = array<i32>} : memref<480x64xf32, #tpu.memory_space<vmem>>, vector<1x16xf32>,
          %get3A_248 = arith.index_cast %scan3A_188 : i32 to index
          %get3A_249 = arith.constant 48 : index
          %get3A_250 = tpu.vector_load %arg12[%get3A_248, %get3A_249] {strides = array<i32>} : memref<480x64xf32, #tpu.memory_space<vmem>>, vector<1x16xf32>,
          %get3A_251 = vector.shape_cast %get3A_250 : vector<1x16xf32> to vector<16xf32>
          %mul3A_252 = arith.mulf %get3A_251, %get3A_191 : vector<16xf32>
          %add3A_253 = arith.constant 160 : i32
          %add3A_254 = arith.addi %add3A_253, %scan3A_188 : i32
          %get3A_255 = arith.index_cast %add3A_254 : i32 to index
          %get3A_256 = arith.constant 48 : index
          %get3A_257 = tpu.vector_load %arg12[%get3A_255, %get3A_256] {strides = array<i32>} : memref<480x64xf32, #tpu.memory_space<vmem>>, vector<1x16xf32>,
          %get3A_258 = vector.shape_cast %get3A_257 : vector<1x16xf32> to vector<16xf32>
          %add3A_259 = arith.addf %mul3A_252, %get3A_258 : vector<16xf32>
          %add3A_260 = arith.constant 160 : i32
          %add3A_261 = arith.addi %add3A_260, %scan3A_188 : i32
          %swap3A_262 = arith.index_cast %add3A_261 : i32 to index
          %swap3A_263 = arith.constant 48 : index
          %swap3A_264 = tpu.vector_load %arg12[%swap3A_262, %swap3A_263] {strides = array<i32>} : memref<480x64xf32, #tpu.memory_space<vmem>>, vector<1x16xf32>,
          %swap3A_265 = vector.shape_cast %swap3A_264 : vector<1x16xf32> to vector<16xf32>
          %swap3A_266 = vector.shape_cast %add3A_259 : vector<16xf32> to vector<1x16xf32>
          tpu.vector_store %arg12[%swap3A_262, %swap3A_263], %swap3A_266 {strides = array<i32>} : memref<480x64xf32, #tpu.memory_space<vmem>>, vector<1x16xf32>,
        }
        %scan3A_184 = arith.constant 160 : i32
        %mul3A_185 = arith.constant 10000 : i32
        %mul3A_186 = arith.muli %arg0, %mul3A_185 : i32
        %add3A_187 = arith.addi %mul3A_186, %add3A : i32
        "tpu.region"() ({
          %run_scoped3A = tpu.sem_alloc : memref<!tpu.dma_semaphore, #tpu.memory_space<semaphore_mem>>
          %dma_start3A_188 = arith.constant 160 : i32
          %dma_start3A_189 = arith.constant 0 : i32
          %dma_start3A_190 = tpu.memref_slice %arg12[%dma_start3A_188, %dma_start3A_189] : memref<480x64xf32, #tpu.memory_space<vmem>> -> memref<160x64xf32, #tpu.memory_space<vmem>>
          %dma_start3A_191 = arith.constant 0 : i32
          %dma_start3A_192 = tpu.memref_slice %arg8[%add3A_187, %dma_start3A_191] : memref<20000x64xf32, #tpu.memory_space<hbm>> -> memref<160x64xf32, #tpu.memory_space<hbm>>
          %dma_start3A_193 = arith.constant 0 : i32
          %dma_start3A_194 = tpu.memref_slice %arg8[%add3A_187, %dma_start3A_193] : memref<20000x64xf32, #tpu.memory_space<hbm>> -> memref<160x64xf32, #tpu.memory_space<hbm>>
          %dma_start3A_195 = arith.constant 160 : i32
          %dma_start3A_196 = arith.constant 0 : i32
          %dma_start3A_197 = tpu.memref_slice %arg12[%dma_start3A_195, %dma_start3A_196] : memref<480x64xf32, #tpu.memory_space<vmem>> -> memref<160x64xf32, #tpu.memory_space<vmem>>
          tpu.enqueue_dma source(%dma_start3A_197 : memref<160x64xf32, #tpu.memory_space<vmem>>) target(%dma_start3A_194 : memref<160x64xf32, #tpu.memory_space<hbm>>) target_semaphore(%run_scoped3A : memref<!tpu.dma_semaphore, #tpu.memory_space<semaphore_mem>>)
          %dma_wait3A_198 = arith.constant 160 : i32
          %dma_wait3A_199 = arith.constant 0 : i32
          %dma_wait3A_200 = tpu.memref_slice %arg12[%dma_wait3A_198, %dma_wait3A_199] : memref<480x64xf32, #tpu.memory_space<vmem>> -> memref<160x64xf32, #tpu.memory_space<vmem>>
          %dma_wait3A_201 = arith.constant 0 : i32
          %dma_wait3A_202 = tpu.memref_slice %arg8[%add3A_187, %dma_wait3A_201] : memref<20000x64xf32, #tpu.memory_space<hbm>> -> memref<160x64xf32, #tpu.memory_space<hbm>>
          %dma_wait3A_203 = arith.constant 0 : i32
          %dma_wait3A_204 = tpu.memref_slice %arg8[%add3A_187, %dma_wait3A_203] : memref<20000x64xf32, #tpu.memory_space<hbm>> -> memref<160x64xf32, #tpu.memory_space<hbm>>
          %dma_wait3A_205 = arith.constant 160 : i32
          %dma_wait3A_206 = arith.constant 0 : i32
          %dma_wait3A_207 = tpu.memref_slice %arg12[%dma_wait3A_205, %dma_wait3A_206] : memref<480x64xf32, #tpu.memory_space<vmem>> -> memref<160x64xf32, #tpu.memory_space<vmem>>
          tpu.wait_dma2 semaphore(%run_scoped3A : memref<!tpu.dma_semaphore, #tpu.memory_space<semaphore_mem>>) src(%dma_wait3A_207 : memref<160x64xf32, #tpu.memory_space<vmem>>) dst(%dma_wait3A_204 : memref<160x64xf32, #tpu.memory_space<hbm>>)
          tpu.yield
        }) : () -> ()
        "tpu.region"() ({
          %run_scoped3A = tpu.sem_alloc : memref<!tpu.dma_semaphore, #tpu.memory_space<semaphore_mem>>
          %dma_start3A_188 = arith.constant 0 : i32
          %dma_start3A_189 = tpu.memref_slice %arg14[%add3A, %dma_start3A_188] : memref<10000x64xf32, #tpu.memory_space<vmem_shared>> -> memref<160x64xf32, #tpu.memory_space<vmem_shared>>
          %dma_start3A_190 = arith.constant 0 : i32
          %dma_start3A_191 = arith.constant 0 : i32
          %dma_start3A_192 = tpu.memref_slice %arg7[%dma_start3A_190, %dma_start3A_191] : memref<640x64xf32, #tpu.memory_space<hbm>> -> memref<160x64xf32, #tpu.memory_space<hbm>>
          tpu.enqueue_dma source(%dma_start3A_192 : memref<160x64xf32, #tpu.memory_space<hbm>>) target(%dma_start3A_189 : memref<160x64xf32, #tpu.memory_space<vmem_shared>>) target_semaphore(%run_scoped3A : memref<!tpu.dma_semaphore, #tpu.memory_space<semaphore_mem>>)
          %dma_wait3A_193 = arith.constant 0 : i32
          %dma_wait3A_194 = tpu.memref_slice %arg14[%add3A, %dma_wait3A_193] : memref<10000x64xf32, #tpu.memory_space<vmem_shared>> -> memref<160x64xf32, #tpu.memory_space<vmem_shared>>
          %dma_wait3A_195 = arith.constant 0 : i32
          %dma_wait3A_196 = arith.constant 0 : i32
          %dma_wait3A_197 = tpu.memref_slice %arg7[%dma_wait3A_195, %dma_wait3A_196] : memref<640x64xf32, #tpu.memory_space<hbm>> -> memref<160x64xf32, #tpu.memory_space<hbm>>
          tpu.wait_dma2 semaphore(%run_scoped3A : memref<!tpu.dma_semaphore, #tpu.memory_space<semaphore_mem>>) src(%dma_wait3A_197 : memref<160x64xf32, #tpu.memory_space<hbm>>) dst(%dma_wait3A_194 : memref<160x64xf32, #tpu.memory_space<vmem_shared>>)
          tpu.yield
        }) : () -> ()
      }
      %scan3A_171 = arith.constant 4 : i32
    } else {
    }
    %barrier3A_98 = arith.constant 0 : index
    tpu.barrier barrier_id(%barrier3A_98)
    %dma_start3A_99 = arith.constant 0 : i32
    %dma_start3A_100 = arith.constant 0 : i32
    %dma_start3A_101 = tpu.memref_slice %arg12[%dma_start3A_99, %dma_start3A_100] : memref<480x64xf32, #tpu.memory_space<vmem>> -> memref<80x64xf32, #tpu.memory_space<vmem>>
    %dma_start3A_102 = arith.constant 0 : i32
    %dma_start3A_103 = tpu.memref_slice %arg10[%dma_start3A_102] : memref<20000xi32, #tpu.memory_space<vmem>> -> memref<80xi32, #tpu.memory_space<vmem>>
    %dma_start3A_104 = arith.constant 0 : i32
    %dma_start3A_105 = arith.constant 0 : i32
    %dma_start3A_106 = tpu.memref_slice %arg8[%dma_start3A_104, %dma_start3A_105] : memref<20000x64xf32, #tpu.memory_space<hbm>> -> memref<20000x64xf32, #tpu.memory_space<hbm>>
    tpu.enqueue_indirect_dma source(%dma_start3A_106 : memref<20000x64xf32, #tpu.memory_space<hbm>>) target(%dma_start3A_101 : memref<80x64xf32, #tpu.memory_space<vmem>>) offsets(%dma_start3A_103 : memref<80xi32, #tpu.memory_space<vmem>>) semaphore(%arg16 : memref<!tpu.dma_semaphore, #tpu.memory_space<semaphore_mem>>)
    %dma_start3A_107 = arith.constant 80 : i32
    %dma_start3A_108 = arith.constant 0 : i32
    %dma_start3A_109 = tpu.memref_slice %arg12[%dma_start3A_107, %dma_start3A_108] : memref<480x64xf32, #tpu.memory_space<vmem>> -> memref<80x64xf32, #tpu.memory_space<vmem>>
    %dma_start3A_110 = arith.constant 80 : i32
    %dma_start3A_111 = tpu.memref_slice %arg10[%dma_start3A_110] : memref<20000xi32, #tpu.memory_space<vmem>> -> memref<80xi32, #tpu.memory_space<vmem>>
    %dma_start3A_112 = arith.constant 0 : i32
    %dma_start3A_113 = arith.constant 0 : i32
    %dma_start3A_114 = tpu.memref_slice %arg8[%dma_start3A_112, %dma_start3A_113] : memref<20000x64xf32, #tpu.memory_space<hbm>> -> memref<20000x64xf32, #tpu.memory_space<hbm>>
    tpu.enqueue_indirect_dma source(%dma_start3A_114 : memref<20000x64xf32, #tpu.memory_space<hbm>>) target(%dma_start3A_109 : memref<80x64xf32, #tpu.memory_space<vmem>>) offsets(%dma_start3A_111 : memref<80xi32, #tpu.memory_space<vmem>>) semaphore(%arg16 : memref<!tpu.dma_semaphore, #tpu.memory_space<semaphore_mem>>)
    %dma_start3A_115 = arith.constant 160 : i32
    %dma_start3A_116 = arith.constant 0 : i32
    %dma_start3A_117 = tpu.memref_slice %arg12[%dma_start3A_115, %dma_start3A_116] : memref<480x64xf32, #tpu.memory_space<vmem>> -> memref<80x64xf32, #tpu.memory_space<vmem>>
    %dma_start3A_118 = arith.constant 160 : i32
    %dma_start3A_119 = tpu.memref_slice %arg10[%dma_start3A_118] : memref<20000xi32, #tpu.memory_space<vmem>> -> memref<80xi32, #tpu.memory_space<vmem>>
    %dma_start3A_120 = arith.constant 0 : i32
    %dma_start3A_121 = arith.constant 0 : i32
    %dma_start3A_122 = tpu.memref_slice %arg8[%dma_start3A_120, %dma_start3A_121] : memref<20000x64xf32, #tpu.memory_space<hbm>> -> memref<20000x64xf32, #tpu.memory_space<hbm>>
    tpu.enqueue_indirect_dma source(%dma_start3A_122 : memref<20000x64xf32, #tpu.memory_space<hbm>>) target(%dma_start3A_117 : memref<80x64xf32, #tpu.memory_space<vmem>>) offsets(%dma_start3A_119 : memref<80xi32, #tpu.memory_space<vmem>>) semaphore(%arg16 : memref<!tpu.dma_semaphore, #tpu.memory_space<semaphore_mem>>)
    %dma_start3A_123 = arith.constant 240 : i32
    %dma_start3A_124 = arith.constant 0 : i32
    %dma_start3A_125 = tpu.memref_slice %arg12[%dma_start3A_123, %dma_start3A_124] : memref<480x64xf32, #tpu.memory_space<vmem>> -> memref<80x64xf32, #tpu.memory_space<vmem>>
    %dma_start3A_126 = arith.constant 240 : i32
    %dma_start3A_127 = tpu.memref_slice %arg10[%dma_start3A_126] : memref<20000xi32, #tpu.memory_space<vmem>> -> memref<80xi32, #tpu.memory_space<vmem>>
    %dma_start3A_128 = arith.constant 0 : i32
    %dma_start3A_129 = arith.constant 0 : i32
    %dma_start3A_130 = tpu.memref_slice %arg8[%dma_start3A_128, %dma_start3A_129] : memref<20000x64xf32, #tpu.memory_space<hbm>> -> memref<20000x64xf32, #tpu.memory_space<hbm>>
    tpu.enqueue_indirect_dma source(%dma_start3A_130 : memref<20000x64xf32, #tpu.memory_space<hbm>>) target(%dma_start3A_125 : memref<80x64xf32, #tpu.memory_space<vmem>>) offsets(%dma_start3A_127 : memref<80xi32, #tpu.memory_space<vmem>>) semaphore(%arg16 : memref<!tpu.dma_semaphore, #tpu.memory_space<semaphore_mem>>)
    %dma_start3A_131 = arith.constant 320 : i32
    %dma_start3A_132 = arith.constant 0 : i32
    %dma_start3A_133 = tpu.memref_slice %arg12[%dma_start3A_131, %dma_start3A_132] : memref<480x64xf32, #tpu.memory_space<vmem>> -> memref<80x64xf32, #tpu.memory_space<vmem>>
    %dma_start3A_134 = arith.constant 320 : i32
    %dma_start3A_135 = tpu.memref_slice %arg10[%dma_start3A_134] : memref<20000xi32, #tpu.memory_space<vmem>> -> memref<80xi32, #tpu.memory_space<vmem>>
    %dma_start3A_136 = arith.constant 0 : i32
    %dma_start3A_137 = arith.constant 0 : i32
    %dma_start3A_138 = tpu.memref_slice %arg8[%dma_start3A_136, %dma_start3A_137] : memref<20000x64xf32, #tpu.memory_space<hbm>> -> memref<20000x64xf32, #tpu.memory_space<hbm>>
    tpu.enqueue_indirect_dma source(%dma_start3A_138 : memref<20000x64xf32, #tpu.memory_space<hbm>>) target(%dma_start3A_133 : memref<80x64xf32, #tpu.memory_space<vmem>>) offsets(%dma_start3A_135 : memref<80xi32, #tpu.memory_space<vmem>>) semaphore(%arg16 : memref<!tpu.dma_semaphore, #tpu.memory_space<semaphore_mem>>)
    %scan3A_139 = arith.constant 0 : i32
    %scan3A_140 = arith.constant 0 : i32
    %scan3A_141 = arith.constant 250 : i32
    %scan3A_142 = arith.addi %scan3A_140, %scan3A_141 : i32
    %scan3A_143 = arith.constant 1 : i32
    scf.for %scan3A_166 = %scan3A_140 to %scan3A_142 step %scan3A_143  : i32 {
      %ge3A = arith.constant 1 : i32
      %ge3A_167 = arith.cmpi sge, %scan3A_166, %ge3A : i32
      %convert_element_type3A_168 = arith.extui %ge3A_167 : i1 to i32
      %cond3A_169 = arith.constant 0 : i32
      %cond3A_170 = arith.cmpi ne, %convert_element_type3A_168, %cond3A_169 : i32
      scf.if %cond3A_170 {
        %sub3A_223 = arith.constant 1 : i32
        %sub3A_224 = arith.subi %scan3A_166, %sub3A_223 : i32
        %jit3A_225 = arith.constant 6 : i32
        %eq3A_226 = arith.constant 0 : i32
        %eq3A_227 = arith.cmpi eq, %jit3A_225, %eq3A_226 : i32
        %jit3A_228 = arith.constant 1 : i32
        %select_n3A_229 = arith.select %eq3A_227, %jit3A_228, %jit3A_225 : i32
        %rem3A_230 = arith.remsi %sub3A_224, %select_n3A_229 : i32
        %ne3A_231 = arith.constant 0 : i32
        %ne3A_232 = arith.cmpi ne, %rem3A_230, %ne3A_231 : i32
        %lt3A_233 = arith.constant 0 : i32
        %lt3A_234 = arith.cmpi slt, %rem3A_230, %lt3A_233 : i32
        %lt3A_235 = arith.constant 0 : i32
        %lt3A_236 = arith.cmpi slt, %select_n3A_229, %lt3A_235 : i32
        %ne3A_237 = arith.xori %lt3A_234, %lt3A_236 : i1
        %and3A_238 = arith.andi %ne3A_237, %ne3A_232 : i1
        %add3A_239 = arith.addi %rem3A_230, %select_n3A_229 : i32
        %select_n3A_240 = arith.select %and3A_238, %add3A_239, %rem3A_230 : i32
        %mul3A_241 = arith.constant 80 : i32
        %mul3A_242 = arith.muli %select_n3A_240, %mul3A_241 : i32
        %sub3A_243 = arith.constant 1 : i32
        %sub3A_244 = arith.subi %scan3A_166, %sub3A_243 : i32
        %dma_wait3A_245 = arith.constant 0 : i32
        %dma_wait3A_246 = tpu.memref_slice %arg12[%mul3A_242, %dma_wait3A_245] : memref<480x64xf32, #tpu.memory_space<vmem>> -> memref<80x64xf32, #tpu.memory_space<vmem>>
        %dma_wait3A_247 = arith.constant 0 : i32
        %dma_wait3A_248 = tpu.memref_slice %arg11[%sub3A_244, %dma_wait3A_247] : memref<250x80xi32, #tpu.memory_space<vmem>> -> memref<1x80xi32, #tpu.memory_space<vmem>>
        %dma_wait3A_249 = tpu.memref_squeeze %dma_wait3A_248 : memref<1x80xi32, #tpu.memory_space<vmem>> -> memref<80xi32, #tpu.memory_space<vmem>>
        %dma_wait3A_250 = arith.constant 0 : i32
        %dma_wait3A_251 = arith.constant 0 : i32
        %dma_wait3A_252 = tpu.memref_slice %arg14[%dma_wait3A_250, %dma_wait3A_251] : memref<10000x64xf32, #tpu.memory_space<vmem_shared>> -> memref<10000x64xf32, #tpu.memory_space<vmem_shared>>
        tpu.wait_indirect_dma semaphore(%arg17 : memref<!tpu.dma_semaphore, #tpu.memory_space<semaphore_mem>>) src(%dma_wait3A_246 : memref<80x64xf32, #tpu.memory_space<vmem>>) dst(%dma_wait3A_252 : memref<10000x64xf32, #tpu.memory_space<vmem_shared>>)
      } else {
      }
      %add3A = arith.constant 6 : i32
      %add3A_171 = arith.addi %scan3A_166, %add3A : i32
      %sub3A = arith.constant 1 : i32
      %sub3A_172 = arith.subi %add3A_171, %sub3A : i32
      %le3A = arith.constant 249 : i32
      %le3A_173 = arith.cmpi sle, %sub3A_172, %le3A : i32
      %convert_element_type3A_174 = arith.extui %le3A_173 : i1 to i32
      %cond3A_175 = arith.constant 0 : i32
      %cond3A_176 = arith.cmpi ne, %convert_element_type3A_174, %cond3A_175 : i32
      scf.if %cond3A_176 {
        %add3A_223 = arith.constant 6 : i32
        %add3A_224 = arith.addi %scan3A_166, %add3A_223 : i32
        %sub3A_225 = arith.constant 1 : i32
        %sub3A_226 = arith.subi %add3A_224, %sub3A_225 : i32
        %mul3A_227 = arith.constant 80 : i32
        %mul3A_228 = arith.muli %sub3A_226, %mul3A_227 : i32
        %add3A_229 = arith.constant 6 : i32
        %add3A_230 = arith.addi %scan3A_166, %add3A_229 : i32
        %sub3A_231 = arith.constant 1 : i32
        %sub3A_232 = arith.subi %add3A_230, %sub3A_231 : i32
        %jit3A_233 = arith.constant 6 : i32
        %eq3A_234 = arith.constant 0 : i32
        %eq3A_235 = arith.cmpi eq, %jit3A_233, %eq3A_234 : i32
        %jit3A_236 = arith.constant 1 : i32
        %select_n3A_237 = arith.select %eq3A_235, %jit3A_236, %jit3A_233 : i32
        %rem3A_238 = arith.remsi %sub3A_232, %select_n3A_237 : i32
        %ne3A_239 = arith.constant 0 : i32
        %ne3A_240 = arith.cmpi ne, %rem3A_238, %ne3A_239 : i32
        %lt3A_241 = arith.constant 0 : i32
        %lt3A_242 = arith.cmpi slt, %rem3A_238, %lt3A_241 : i32
        %lt3A_243 = arith.constant 0 : i32
        %lt3A_244 = arith.cmpi slt, %select_n3A_237, %lt3A_243 : i32
        %ne3A_245 = arith.xori %lt3A_242, %lt3A_244 : i1
        %and3A_246 = arith.andi %ne3A_245, %ne3A_240 : i1
        %add3A_247 = arith.addi %rem3A_238, %select_n3A_237 : i32
        %select_n3A_248 = arith.select %and3A_246, %add3A_247, %rem3A_238 : i32
        %mul3A_249 = arith.constant 80 : i32
        %mul3A_250 = arith.muli %select_n3A_248, %mul3A_249 : i32
        %dma_start3A_251 = arith.constant 0 : i32
        %dma_start3A_252 = tpu.memref_slice %arg12[%mul3A_250, %dma_start3A_251] : memref<480x64xf32, #tpu.memory_space<vmem>> -> memref<80x64xf32, #tpu.memory_space<vmem>>
        %dma_start3A_253 = tpu.memref_slice %arg10[%mul3A_228] : memref<20000xi32, #tpu.memory_space<vmem>> -> memref<80xi32, #tpu.memory_space<vmem>>
        %dma_start3A_254 = arith.constant 0 : i32
        %dma_start3A_255 = arith.constant 0 : i32
        %dma_start3A_256 = tpu.memref_slice %arg8[%dma_start3A_254, %dma_start3A_255] : memref<20000x64xf32, #tpu.memory_space<hbm>> -> memref<20000x64xf32, #tpu.memory_space<hbm>>
        tpu.enqueue_indirect_dma source(%dma_start3A_256 : memref<20000x64xf32, #tpu.memory_space<hbm>>) target(%dma_start3A_252 : memref<80x64xf32, #tpu.memory_space<vmem>>) offsets(%dma_start3A_253 : memref<80xi32, #tpu.memory_space<vmem>>) semaphore(%arg16 : memref<!tpu.dma_semaphore, #tpu.memory_space<semaphore_mem>>)
      } else {
      }
      %mul3A = arith.constant 80 : i32
      %mul3A_177 = arith.muli %scan3A_166, %mul3A : i32
      %jit3A = arith.constant 6 : i32
      %eq3A_178 = arith.constant 0 : i32
      %eq3A_179 = arith.cmpi eq, %jit3A, %eq3A_178 : i32
      %jit3A_180 = arith.constant 1 : i32
      %select_n3A = arith.select %eq3A_179, %jit3A_180, %jit3A : i32
      %rem3A = arith.remsi %scan3A_166, %select_n3A : i32
      %ne3A = arith.constant 0 : i32
      %ne3A_181 = arith.cmpi ne, %rem3A, %ne3A : i32
      %lt3A_182 = arith.constant 0 : i32
      %lt3A_183 = arith.cmpi slt, %rem3A, %lt3A_182 : i32
      %lt3A_184 = arith.constant 0 : i32
      %lt3A_185 = arith.cmpi slt, %select_n3A, %lt3A_184 : i32
      %ne3A_186 = arith.xori %lt3A_183, %lt3A_185 : i1
      %and3A = arith.andi %ne3A_186, %ne3A_181 : i1
      %add3A_187 = arith.addi %rem3A, %select_n3A : i32
      %select_n3A_188 = arith.select %and3A, %add3A_187, %rem3A : i32
      %mul3A_189 = arith.constant 80 : i32
      %mul3A_190 = arith.muli %select_n3A_188, %mul3A_189 : i32
      %dma_wait3A_191 = arith.constant 0 : i32
      %dma_wait3A_192 = tpu.memref_slice %arg12[%mul3A_190, %dma_wait3A_191] : memref<480x64xf32, #tpu.memory_space<vmem>> -> memref<80x64xf32, #tpu.memory_space<vmem>>
      %dma_wait3A_193 = tpu.memref_slice %arg10[%mul3A_177] : memref<20000xi32, #tpu.memory_space<vmem>> -> memref<80xi32, #tpu.memory_space<vmem>>
      %dma_wait3A_194 = arith.constant 0 : i32
      %dma_wait3A_195 = arith.constant 0 : i32
      %dma_wait3A_196 = tpu.memref_slice %arg8[%dma_wait3A_194, %dma_wait3A_195] : memref<20000x64xf32, #tpu.memory_space<hbm>> -> memref<20000x64xf32, #tpu.memory_space<hbm>>
      tpu.wait_indirect_dma semaphore(%arg16 : memref<!tpu.dma_semaphore, #tpu.memory_space<semaphore_mem>>) src(%dma_wait3A_196 : memref<20000x64xf32, #tpu.memory_space<hbm>>) dst(%dma_wait3A_192 : memref<80x64xf32, #tpu.memory_space<vmem>>)
      %jit3A_197 = arith.constant 6 : i32
      %eq3A_198 = arith.constant 0 : i32
      %eq3A_199 = arith.cmpi eq, %jit3A_197, %eq3A_198 : i32
      %jit3A_200 = arith.constant 1 : i32
      %select_n3A_201 = arith.select %eq3A_199, %jit3A_200, %jit3A_197 : i32
      %rem3A_202 = arith.remsi %scan3A_166, %select_n3A_201 : i32
      %ne3A_203 = arith.constant 0 : i32
      %ne3A_204 = arith.cmpi ne, %rem3A_202, %ne3A_203 : i32
      %lt3A_205 = arith.constant 0 : i32
      %lt3A_206 = arith.cmpi slt, %rem3A_202, %lt3A_205 : i32
      %lt3A_207 = arith.constant 0 : i32
      %lt3A_208 = arith.cmpi slt, %select_n3A_201, %lt3A_207 : i32
      %ne3A_209 = arith.xori %lt3A_206, %lt3A_208 : i1
      %and3A_210 = arith.andi %ne3A_209, %ne3A_204 : i1
      %add3A_211 = arith.addi %rem3A_202, %select_n3A_201 : i32
      %select_n3A_212 = arith.select %and3A_210, %add3A_211, %rem3A_202 : i32
      %mul3A_213 = arith.constant 80 : i32
      %mul3A_214 = arith.muli %select_n3A_212, %mul3A_213 : i32
      %dma_start3A_215 = arith.constant 0 : i32
      %dma_start3A_216 = tpu.memref_slice %arg12[%mul3A_214, %dma_start3A_215] : memref<480x64xf32, #tpu.memory_space<vmem>> -> memref<80x64xf32, #tpu.memory_space<vmem>>
      %dma_start3A_217 = arith.constant 0 : i32
      %dma_start3A_218 = tpu.memref_slice %arg11[%scan3A_166, %dma_start3A_217] : memref<250x80xi32, #tpu.memory_space<vmem>> -> memref<1x80xi32, #tpu.memory_space<vmem>>
      %dma_start3A_219 = tpu.memref_squeeze %dma_start3A_218 : memref<1x80xi32, #tpu.memory_space<vmem>> -> memref<80xi32, #tpu.memory_space<vmem>>
      %dma_start3A_220 = arith.constant 0 : i32
      %dma_start3A_221 = arith.constant 0 : i32
      %dma_start3A_222 = tpu.memref_slice %arg14[%dma_start3A_220, %dma_start3A_221] : memref<10000x64xf32, #tpu.memory_space<vmem_shared>> -> memref<10000x64xf32, #tpu.memory_space<vmem_shared>>
      tpu.enqueue_indirect_dma source(%dma_start3A_216 : memref<80x64xf32, #tpu.memory_space<vmem>>) target(%dma_start3A_222 : memref<10000x64xf32, #tpu.memory_space<vmem_shared>>) offsets(%dma_start3A_219 : memref<80xi32, #tpu.memory_space<vmem>>) semaphore(%arg17 : memref<!tpu.dma_semaphore, #tpu.memory_space<semaphore_mem>>) {add = true}
    }
    %scan3A_144 = arith.constant 250 : i32
    %dma_wait3A_145 = arith.constant 249 : i32
    %dma_wait3A_146 = arith.constant 240 : i32
    %dma_wait3A_147 = arith.constant 0 : i32
    %dma_wait3A_148 = tpu.memref_slice %arg12[%dma_wait3A_146, %dma_wait3A_147] : memref<480x64xf32, #tpu.memory_space<vmem>> -> memref<80x64xf32, #tpu.memory_space<vmem>>
    %dma_wait3A_149 = arith.constant 0 : i32
    %dma_wait3A_150 = tpu.memref_slice %arg11[%dma_wait3A_145, %dma_wait3A_149] : memref<250x80xi32, #tpu.memory_space<vmem>> -> memref<1x80xi32, #tpu.memory_space<vmem>>
    %dma_wait3A_151 = tpu.memref_squeeze %dma_wait3A_150 : memref<1x80xi32, #tpu.memory_space<vmem>> -> memref<80xi32, #tpu.memory_space<vmem>>
    %dma_wait3A_152 = arith.constant 0 : i32
    %dma_wait3A_153 = arith.constant 0 : i32
    %dma_wait3A_154 = tpu.memref_slice %arg14[%dma_wait3A_152, %dma_wait3A_153] : memref<10000x64xf32, #tpu.memory_space<vmem_shared>> -> memref<10000x64xf32, #tpu.memory_space<vmem_shared>>
    tpu.wait_indirect_dma semaphore(%arg17 : memref<!tpu.dma_semaphore, #tpu.memory_space<semaphore_mem>>) src(%dma_wait3A_148 : memref<80x64xf32, #tpu.memory_space<vmem>>) dst(%dma_wait3A_154 : memref<10000x64xf32, #tpu.memory_space<vmem_shared>>)
    %barrier3A_155 = arith.constant 0 : index
    tpu.barrier barrier_id(%barrier3A_155)
    %lt3A_156 = arith.constant 15 : i32
    %lt3A_157 = arith.cmpi slt, %arg1, %lt3A_156 : i32
    %convert_element_type3A_158 = arith.extui %lt3A_157 : i1 to i32
    %cond3A_159 = arith.constant 0 : i32
    %cond3A_160 = arith.cmpi ne, %convert_element_type3A_158, %cond3A_159 : i32
    scf.if %cond3A_160 {
      %mul3A = arith.constant 624 : i32
      %mul3A_166 = arith.muli %arg1, %mul3A : i32
      %mul3A_167 = arith.constant 624 : i32
      %mul3A_168 = arith.muli %arg1, %mul3A_167 : i32
      "tpu.region"() ({
        %run_scoped3A = tpu.sem_alloc : memref<!tpu.dma_semaphore, #tpu.memory_space<semaphore_mem>>
        %dma_start3A_169 = arith.constant 0 : i32
        %dma_start3A_170 = tpu.memref_slice %arg9[%arg0, %mul3A_168, %dma_start3A_169] : memref<2x10000x64xf32, #tpu.memory_space<hbm>> -> memref<1x624x64xf32, #tpu.memory_space<hbm>>
        %dma_start3A_171 = tpu.memref_squeeze %dma_start3A_170 : memref<1x624x64xf32, #tpu.memory_space<hbm>> -> memref<624x64xf32, #tpu.memory_space<hbm>>
        %dma_start3A_172 = arith.constant 0 : i32
        %dma_start3A_173 = tpu.memref_slice %arg14[%mul3A_166, %dma_start3A_172] : memref<10000x64xf32, #tpu.memory_space<vmem_shared>> -> memref<624x64xf32, #tpu.memory_space<vmem_shared>>
        tpu.enqueue_dma source(%dma_start3A_173 : memref<624x64xf32, #tpu.memory_space<vmem_shared>>) target(%dma_start3A_171 : memref<624x64xf32, #tpu.memory_space<hbm>>) target_semaphore(%run_scoped3A : memref<!tpu.dma_semaphore, #tpu.memory_space<semaphore_mem>>)
        %dma_wait3A_174 = arith.constant 0 : i32
        %dma_wait3A_175 = tpu.memref_slice %arg9[%arg0, %mul3A_168, %dma_wait3A_174] : memref<2x10000x64xf32, #tpu.memory_space<hbm>> -> memref<1x624x64xf32, #tpu.memory_space<hbm>>
        %dma_wait3A_176 = tpu.memref_squeeze %dma_wait3A_175 : memref<1x624x64xf32, #tpu.memory_space<hbm>> -> memref<624x64xf32, #tpu.memory_space<hbm>>
        %dma_wait3A_177 = arith.constant 0 : i32
        %dma_wait3A_178 = tpu.memref_slice %arg14[%mul3A_166, %dma_wait3A_177] : memref<10000x64xf32, #tpu.memory_space<vmem_shared>> -> memref<624x64xf32, #tpu.memory_space<vmem_shared>>
        tpu.wait_dma2 semaphore(%run_scoped3A : memref<!tpu.dma_semaphore, #tpu.memory_space<semaphore_mem>>) src(%dma_wait3A_178 : memref<624x64xf32, #tpu.memory_space<vmem_shared>>) dst(%dma_wait3A_176 : memref<624x64xf32, #tpu.memory_space<hbm>>)
        tpu.yield
      }) : () -> ()
    } else {
    }
    %eq3A_161 = arith.constant 15 : i32
    %eq3A_162 = arith.cmpi eq, %arg1, %eq3A_161 : i32
    %convert_element_type3A_163 = arith.extui %eq3A_162 : i1 to i32
    %cond3A_164 = arith.constant 0 : i32
    %cond3A_165 = arith.cmpi ne, %convert_element_type3A_163, %cond3A_164 : i32
    scf.if %cond3A_165 {
      %mul3A = arith.constant 624 : i32
      %mul3A_166 = arith.muli %arg1, %mul3A : i32
      %mul3A_167 = arith.constant 624 : i32
      %mul3A_168 = arith.muli %arg1, %mul3A_167 : i32
      "tpu.region"() ({
        %run_scoped3A = tpu.sem_alloc : memref<!tpu.dma_semaphore, #tpu.memory_space<semaphore_mem>>
        %dma_start3A_169 = arith.constant 0 : i32
        %dma_start3A_170 = tpu.memref_slice %arg9[%arg0, %mul3A_168, %dma_start3A_169] : memref<2x10000x64xf32, #tpu.memory_space<hbm>> -> memref<1x640x64xf32, #tpu.memory_space<hbm>>
        %dma_start3A_171 = tpu.memref_squeeze %dma_start3A_170 : memref<1x640x64xf32, #tpu.memory_space<hbm>> -> memref<640x64xf32, #tpu.memory_space<hbm>>
        %dma_start3A_172 = arith.constant 0 : i32
        %dma_start3A_173 = tpu.memref_slice %arg14[%mul3A_166, %dma_start3A_172] : memref<10000x64xf32, #tpu.memory_space<vmem_shared>> -> memref<640x64xf32, #tpu.memory_space<vmem_shared>>
        tpu.enqueue_dma source(%dma_start3A_173 : memref<640x64xf32, #tpu.memory_space<vmem_shared>>) target(%dma_start3A_171 : memref<640x64xf32, #tpu.memory_space<hbm>>) target_semaphore(%run_scoped3A : memref<!tpu.dma_semaphore, #tpu.memory_space<semaphore_mem>>)
        %dma_wait3A_174 = arith.constant 0 : i32
        %dma_wait3A_175 = tpu.memref_slice %arg9[%arg0, %mul3A_168, %dma_wait3A_174] : memref<2x10000x64xf32, #tpu.memory_space<hbm>> -> memref<1x640x64xf32, #tpu.memory_space<hbm>>
        %dma_wait3A_176 = tpu.memref_squeeze %dma_wait3A_175 : memref<1x640x64xf32, #tpu.memory_space<hbm>> -> memref<640x64xf32, #tpu.memory_space<hbm>>
        %dma_wait3A_177 = arith.constant 0 : i32
        %dma_wait3A_178 = tpu.memref_slice %arg14[%mul3A_166, %dma_wait3A_177] : memref<10000x64xf32, #tpu.memory_space<vmem_shared>> -> memref<640x64xf32, #tpu.memory_space<vmem_shared>>
        tpu.wait_dma2 semaphore(%run_scoped3A : memref<!tpu.dma_semaphore, #tpu.memory_space<semaphore_mem>>) src(%dma_wait3A_178 : memref<640x64xf32, #tpu.memory_space<vmem_shared>>) dst(%dma_wait3A_176 : memref<640x64xf32, #tpu.memory_space<hbm>>)
        tpu.yield
      }) : () -> ()
    } else {
    }
    return
  }
}

module attributes {stable_mosaic.version = 14 : i64} {
  func.func @_mmprep_body(%arg0: i32, %arg1: memref<1000x128xf32, #tpu.memory_space<vmem>>, %arg2: memref<128x128xf32, #tpu.memory_space<vmem>>, %arg3: memref<1x128xf32, #tpu.memory_space<vmem>>, %arg4: memref<2x1000x16xf32, #tpu.memory_space<vmem>>, %arg5: memref<2x1000x64xf32, #tpu.memory_space<vmem>>, %arg6: memref<1000x128xf32, #tpu.memory_space<vmem>>, %arg7: memref<2x1000x64xf32, #tpu.memory_space<vmem>>, %arg8: memref<1000x16xf32, #tpu.memory_space<vmem>>) attributes {dimension_semantics = [#tpu.dimension_semantics<arbitrary>], iteration_bounds = array<i64: 10>, scalar_prefetch = 0 : i64, scratch_operands = 0 : i64, tpu.core_type = #tpu.core_type<tc>, window_params = [{transform_indices = @transform_0, window_bounds = array<i64: 1000, 128>}, {pipeline_mode = #tpu.pipeline_mode<synchronous>, transform_indices = @transform_1, window_bounds = array<i64: 128, 128>}, {pipeline_mode = #tpu.pipeline_mode<synchronous>, transform_indices = @transform_2, window_bounds = array<i64: 1, 128>}, {transform_indices = @transform_3, window_bounds = array<i64: 2, 1000, 16>}, {transform_indices = @transform_4, window_bounds = array<i64: 2, 1000, 64>}, {transform_indices = @transform_5, window_bounds = array<i64: 1000, 128>}, {transform_indices = @transform_6, window_bounds = array<i64: 2, 1000, 64>}, {transform_indices = @transform_7, window_bounds = array<i64: 1000, 16>}]} {
    %get3A = arith.constant 0 : index
    %get3A_0 = arith.constant 0 : index
    %get3A_1 = arith.constant 0 : index
    %get3A_2 = vector.load %arg4[%get3A, %get3A_0, %get3A_1] : memref<2x1000x16xf32, #tpu.memory_space<vmem>>, vector<1x1000x1xf32>
    %get3A_3 = vector.shape_cast %get3A_2 : vector<1x1000x1xf32> to vector<1000x1xf32>
    %get3A_4 = arith.constant 1 : index
    %get3A_5 = arith.constant 0 : index
    %get3A_6 = arith.constant 0 : index
    %get3A_7 = vector.load %arg4[%get3A_4, %get3A_5, %get3A_6] : memref<2x1000x16xf32, #tpu.memory_space<vmem>>, vector<1x1000x1xf32>
    %get3A_8 = vector.shape_cast %get3A_7 : vector<1x1000x1xf32> to vector<1000x1xf32>
    %add3A = arith.addf %get3A_3, %get3A_8 : vector<1000x1xf32>
    %max3A = arith.constant 1.000000e+00 : f32
    %max3A_9 = vector.broadcast %max3A : f32 to vector<1000x1xf32>
    %max3A_10 = arith.maximumf %add3A, %max3A_9 : vector<1000x1xf32>
    %add3A_11 = arith.constant 1.000000e+00 : f32
    %add3A_12 = vector.broadcast %add3A_11 : f32 to vector<1000x1xf32>
    %add3A_13 = arith.addf %max3A_10, %add3A_12 : vector<1000x1xf32>
    %rsqrt3A = math.rsqrt %add3A_13 : vector<1000x1xf32>
    %get3A_14 = arith.constant 0 : index
    %get3A_15 = arith.constant 0 : index
    %get3A_16 = vector.load %arg1[%get3A_14, %get3A_15] : memref<1000x128xf32, #tpu.memory_space<vmem>>, vector<1000x128xf32>
    %get3A_17 = arith.constant 0 : index
    %get3A_18 = arith.constant 0 : index
    %get3A_19 = vector.load %arg2[%get3A_17, %get3A_18] : memref<128x128xf32, #tpu.memory_space<vmem>>, vector<128x128xf32>
    %dot_general3A = arith.constant dense<0.000000e+00> : vector<1000x128xf32>
    %dot_general3A_20 = tpu.matmul %get3A_16, %get3A_19, %dot_general3A {dimension_numbers = #tpu.dot_dimension_numbers<[1], [0], [0], [1], [0, 0, 1, 1], [], []>, transpose_lhs_hint = false} : vector<1000x128xf32>, vector<128x128xf32>, vector<1000x128xf32> -> vector<1000x128xf32>
    %get3A_21 = arith.constant 0 : index
    %get3A_22 = arith.constant 0 : index
    %get3A_23 = vector.load %arg3[%get3A_21, %get3A_22] : memref<1x128xf32, #tpu.memory_space<vmem>>, vector<1x128xf32>
    %add3A_24 = vector.broadcast %get3A_23 : vector<1x128xf32> to vector<1000x128xf32>
    %add3A_25 = arith.addf %dot_general3A_20, %add3A_24 : vector<1000x128xf32>
    %mul3A = arith.mulf %rsqrt3A, %rsqrt3A : vector<1000x1xf32>
    %mul3A_26 = vector.broadcast %rsqrt3A : vector<1000x1xf32> to vector<1000x128xf32>
    %mul3A_27 = arith.mulf %add3A_25, %mul3A_26 : vector<1000x128xf32>
    %slice3A = vector.extract_strided_slice %mul3A_27 {offsets = [0, 0], sizes = [1000, 64], strides = [1, 1]} : vector<1000x128xf32> to vector<1000x64xf32>
    %swap3A = arith.constant 0 : index
    %swap3A_28 = arith.constant 0 : index
    %swap3A_29 = arith.constant 0 : index
    %swap3A_30 = vector.load %arg5[%swap3A, %swap3A_28, %swap3A_29] : memref<2x1000x64xf32, #tpu.memory_space<vmem>>, vector<1x1000x64xf32>
    %swap3A_31 = vector.shape_cast %swap3A_30 : vector<1x1000x64xf32> to vector<1000x64xf32>
    %swap3A_32 = vector.shape_cast %slice3A : vector<1000x64xf32> to vector<1x1000x64xf32>
    tpu.vector_store %arg5[%swap3A, %swap3A_28, %swap3A_29], %swap3A_32 {strides = array<i32>} : memref<2x1000x64xf32, #tpu.memory_space<vmem>>, vector<1x1000x64xf32>,
    %slice3A_33 = vector.extract_strided_slice %mul3A_27 {offsets = [0, 64], sizes = [1000, 64], strides = [1, 1]} : vector<1000x128xf32> to vector<1000x64xf32>
    %swap3A_34 = arith.constant 1 : index
    %swap3A_35 = arith.constant 0 : index
    %swap3A_36 = arith.constant 0 : index
    %swap3A_37 = vector.load %arg5[%swap3A_34, %swap3A_35, %swap3A_36] : memref<2x1000x64xf32, #tpu.memory_space<vmem>>, vector<1x1000x64xf32>
    %swap3A_38 = vector.shape_cast %swap3A_37 : vector<1x1000x64xf32> to vector<1000x64xf32>
    %swap3A_39 = vector.shape_cast %slice3A_33 : vector<1000x64xf32> to vector<1x1000x64xf32>
    tpu.vector_store %arg5[%swap3A_34, %swap3A_35, %swap3A_36], %swap3A_39 {strides = array<i32>} : memref<2x1000x64xf32, #tpu.memory_space<vmem>>, vector<1x1000x64xf32>,
    %mul3A_40 = vector.broadcast %mul3A : vector<1000x1xf32> to vector<1000x128xf32>
    %mul3A_41 = arith.mulf %add3A_25, %mul3A_40 : vector<1000x128xf32>
    %swap3A_42 = arith.constant 0 : index
    %swap3A_43 = arith.constant 0 : index
    %swap3A_44 = vector.load %arg6[%swap3A_42, %swap3A_43] : memref<1000x128xf32, #tpu.memory_space<vmem>>, vector<1000x128xf32>
    tpu.vector_store %arg6[%swap3A_42, %swap3A_43], %mul3A_41 {strides = array<i32>} : memref<1000x128xf32, #tpu.memory_space<vmem>>, vector<1000x128xf32>,
    %mul3A_45 = arith.constant 5.000000e-01 : f32
    %mul3A_46 = vector.broadcast %mul3A_45 : f32 to vector<1000x128xf32>
    %mul3A_47 = arith.mulf %mul3A_46, %mul3A_41 : vector<1000x128xf32>
    %mul3A_48 = arith.constant 5.000000e-01 : f32
    %mul3A_49 = vector.broadcast %mul3A_48 : f32 to vector<1000x128xf32>
    %mul3A_50 = arith.mulf %mul3A_49, %add3A_25 : vector<1000x128xf32>
    %add3A_51 = arith.addf %mul3A_47, %mul3A_50 : vector<1000x128xf32>
    %mul3A_52 = vector.broadcast %rsqrt3A : vector<1000x1xf32> to vector<1000x128xf32>
    %mul3A_53 = arith.mulf %mul3A_52, %add3A_51 : vector<1000x128xf32>
    %slice3A_54 = vector.extract_strided_slice %mul3A_53 {offsets = [0, 0], sizes = [1000, 64], strides = [1, 1]} : vector<1000x128xf32> to vector<1000x64xf32>
    %swap3A_55 = arith.constant 0 : index
    %swap3A_56 = arith.constant 0 : index
    %swap3A_57 = arith.constant 0 : index
    %swap3A_58 = vector.load %arg7[%swap3A_55, %swap3A_56, %swap3A_57] : memref<2x1000x64xf32, #tpu.memory_space<vmem>>, vector<1x1000x64xf32>
    %swap3A_59 = vector.shape_cast %swap3A_58 : vector<1x1000x64xf32> to vector<1000x64xf32>
    %swap3A_60 = vector.shape_cast %slice3A_54 : vector<1000x64xf32> to vector<1x1000x64xf32>
    tpu.vector_store %arg7[%swap3A_55, %swap3A_56, %swap3A_57], %swap3A_60 {strides = array<i32>} : memref<2x1000x64xf32, #tpu.memory_space<vmem>>, vector<1x1000x64xf32>,
    %slice3A_61 = vector.extract_strided_slice %mul3A_53 {offsets = [0, 64], sizes = [1000, 64], strides = [1, 1]} : vector<1000x128xf32> to vector<1000x64xf32>
    %swap3A_62 = arith.constant 1 : index
    %swap3A_63 = arith.constant 0 : index
    %swap3A_64 = arith.constant 0 : index
    %swap3A_65 = vector.load %arg7[%swap3A_62, %swap3A_63, %swap3A_64] : memref<2x1000x64xf32, #tpu.memory_space<vmem>>, vector<1x1000x64xf32>
    %swap3A_66 = vector.shape_cast %swap3A_65 : vector<1x1000x64xf32> to vector<1000x64xf32>
    %swap3A_67 = vector.shape_cast %slice3A_61 : vector<1000x64xf32> to vector<1x1000x64xf32>
    tpu.vector_store %arg7[%swap3A_62, %swap3A_63, %swap3A_64], %swap3A_67 {strides = array<i32>} : memref<2x1000x64xf32, #tpu.memory_space<vmem>>, vector<1x1000x64xf32>,
    %mul3A_68 = arith.constant 5.000000e-01 : f32
    %mul3A_69 = vector.broadcast %mul3A_68 : f32 to vector<1000x1xf32>
    %mul3A_70 = arith.mulf %mul3A_69, %mul3A : vector<1000x1xf32>
    %broadcast_in_dim3A = vector.shape_cast %mul3A_70 : vector<1000x1xf32> to vector<1000x1xf32>
    %broadcast_in_dim3A_71 = vector.broadcast %broadcast_in_dim3A : vector<1000x1xf32> to vector<1000x16xf32>
    %swap3A_72 = arith.constant 0 : index
    %swap3A_73 = arith.constant 0 : index
    %swap3A_74 = vector.load %arg8[%swap3A_72, %swap3A_73] : memref<1000x16xf32, #tpu.memory_space<vmem>>, vector<1000x16xf32>
    tpu.vector_store %arg8[%swap3A_72, %swap3A_73], %broadcast_in_dim3A_71 {strides = array<i32>} : memref<1000x16xf32, #tpu.memory_space<vmem>>, vector<1000x16xf32>,
    return
  }
  func.func @transform_0(%arg0: i32) -> (i32, i32) {
    %c0_i32 = arith.constant 0 : i32
    %c0_i32_0 = arith.constant 0 : i32
    return %arg0, %c0_i32 : i32, i32
  }
  func.func @transform_1(%arg0: i32) -> (i32, i32) {
    %c0_i32 = arith.constant 0 : i32
    %c0_i32_0 = arith.constant 0 : i32
    %c0_i32_1 = arith.constant 0 : i32
    return %c0_i32, %c0_i32_0 : i32, i32
  }
  func.func @transform_2(%arg0: i32) -> (i32, i32) {
    %c0_i32 = arith.constant 0 : i32
    %c0_i32_0 = arith.constant 0 : i32
    %c0_i32_1 = arith.constant 0 : i32
    return %c0_i32, %c0_i32_0 : i32, i32
  }
  func.func @transform_3(%arg0: i32) -> (i32, i32, i32) {
    %c0_i32 = arith.constant 0 : i32
    %c0_i32_0 = arith.constant 0 : i32
    %c0_i32_1 = arith.constant 0 : i32
    return %c0_i32, %arg0, %c0_i32_0 : i32, i32, i32
  }
  func.func @transform_4(%arg0: i32) -> (i32, i32, i32) {
    %c0_i32 = arith.constant 0 : i32
    %c0_i32_0 = arith.constant 0 : i32
    %c0_i32_1 = arith.constant 0 : i32
    return %c0_i32, %arg0, %c0_i32_0 : i32, i32, i32
  }
  func.func @transform_5(%arg0: i32) -> (i32, i32) {
    %c0_i32 = arith.constant 0 : i32
    %c0_i32_0 = arith.constant 0 : i32
    return %arg0, %c0_i32 : i32, i32
  }
  func.func @transform_6(%arg0: i32) -> (i32, i32, i32) {
    %c0_i32 = arith.constant 0 : i32
    %c0_i32_0 = arith.constant 0 : i32
    %c0_i32_1 = arith.constant 0 : i32
    return %c0_i32, %arg0, %c0_i32_0 : i32, i32, i32
  }
  func.func @transform_7(%arg0: i32) -> (i32, i32) {
    %c0_i32 = arith.constant 0 : i32
    %c0_i32_0 = arith.constant 0 : i32
    return %arg0, %c0_i32 : i32, i32
  }
}

module attributes {stable_mosaic.version = 14 : i64} {
  func.func @_final_body(%arg0: i32, %arg1: memref<2x1000x64xf32, #tpu.memory_space<vmem>>, %arg2: memref<2x1000x64xf32, #tpu.memory_space<vmem>>, %arg3: memref<2x1000x16xf32, #tpu.memory_space<vmem>>, %arg4: memref<1000x128xf32, #tpu.memory_space<vmem>>, %arg5: memref<1000x128xf32, #tpu.memory_space<vmem>>) attributes {dimension_semantics = [#tpu.dimension_semantics<arbitrary>], iteration_bounds = array<i64: 10>, scalar_prefetch = 0 : i64, scratch_operands = 0 : i64, tpu.core_type = #tpu.core_type<tc>, window_params = [{transform_indices = @transform_0, window_bounds = array<i64: 2, 1000, 64>}, {transform_indices = @transform_1, window_bounds = array<i64: 2, 1000, 64>}, {transform_indices = @transform_2, window_bounds = array<i64: 2, 1000, 16>}, {transform_indices = @transform_3, window_bounds = array<i64: 1000, 128>}, {transform_indices = @transform_4, window_bounds = array<i64: 1000, 128>}]} {
    %get3A = arith.constant 0 : index
    %get3A_0 = arith.constant 0 : index
    %get3A_1 = arith.constant 0 : index
    %get3A_2 = vector.load %arg3[%get3A, %get3A_0, %get3A_1] : memref<2x1000x16xf32, #tpu.memory_space<vmem>>, vector<1x1000x1xf32>
    %get3A_3 = vector.shape_cast %get3A_2 : vector<1x1000x1xf32> to vector<1000x1xf32>
    %get3A_4 = arith.constant 1 : index
    %get3A_5 = arith.constant 0 : index
    %get3A_6 = arith.constant 0 : index
    %get3A_7 = vector.load %arg3[%get3A_4, %get3A_5, %get3A_6] : memref<2x1000x16xf32, #tpu.memory_space<vmem>>, vector<1x1000x1xf32>
    %get3A_8 = vector.shape_cast %get3A_7 : vector<1x1000x1xf32> to vector<1000x1xf32>
    %add3A = arith.addf %get3A_3, %get3A_8 : vector<1000x1xf32>
    %max3A = arith.constant 1.000000e+00 : f32
    %max3A_9 = vector.broadcast %max3A : f32 to vector<1000x1xf32>
    %max3A_10 = arith.maximumf %add3A, %max3A_9 : vector<1000x1xf32>
    %add3A_11 = arith.constant 1.000000e+00 : f32
    %add3A_12 = vector.broadcast %add3A_11 : f32 to vector<1000x1xf32>
    %add3A_13 = arith.addf %max3A_10, %add3A_12 : vector<1000x1xf32>
    %rsqrt3A = math.rsqrt %add3A_13 : vector<1000x1xf32>
    %sqrt3A = math.sqrt %add3A_13 : vector<1000x1xf32>
    %get3A_14 = arith.constant 0 : index
    %get3A_15 = arith.constant 0 : index
    %get3A_16 = arith.constant 0 : index
    %get3A_17 = vector.load %arg1[%get3A_14, %get3A_15, %get3A_16] : memref<2x1000x64xf32, #tpu.memory_space<vmem>>, vector<1x1000x64xf32>
    %get3A_18 = vector.shape_cast %get3A_17 : vector<1x1000x64xf32> to vector<1000x64xf32>
    %get3A_19 = arith.constant 1 : index
    %get3A_20 = arith.constant 0 : index
    %get3A_21 = arith.constant 0 : index
    %get3A_22 = vector.load %arg1[%get3A_19, %get3A_20, %get3A_21] : memref<2x1000x64xf32, #tpu.memory_space<vmem>>, vector<1x1000x64xf32>
    %get3A_23 = vector.shape_cast %get3A_22 : vector<1x1000x64xf32> to vector<1000x64xf32>
    %concatenate3A = tpu.concatenate %get3A_18, %get3A_23 in 1 : vector<1000x64xf32>, vector<1000x64xf32> -> vector<1000x128xf32>
    %get3A_24 = arith.constant 0 : index
    %get3A_25 = arith.constant 0 : index
    %get3A_26 = arith.constant 0 : index
    %get3A_27 = vector.load %arg2[%get3A_24, %get3A_25, %get3A_26] : memref<2x1000x64xf32, #tpu.memory_space<vmem>>, vector<1x1000x64xf32>
    %get3A_28 = vector.shape_cast %get3A_27 : vector<1x1000x64xf32> to vector<1000x64xf32>
    %get3A_29 = arith.constant 1 : index
    %get3A_30 = arith.constant 0 : index
    %get3A_31 = arith.constant 0 : index
    %get3A_32 = vector.load %arg2[%get3A_29, %get3A_30, %get3A_31] : memref<2x1000x64xf32, #tpu.memory_space<vmem>>, vector<1x1000x64xf32>
    %get3A_33 = vector.shape_cast %get3A_32 : vector<1x1000x64xf32> to vector<1000x64xf32>
    %concatenate3A_34 = tpu.concatenate %get3A_28, %get3A_33 in 1 : vector<1000x64xf32>, vector<1000x64xf32> -> vector<1000x128xf32>
    %mul3A = vector.broadcast %sqrt3A : vector<1000x1xf32> to vector<1000x128xf32>
    %mul3A_35 = arith.mulf %concatenate3A_34, %mul3A : vector<1000x128xf32>
    %mul3A_36 = vector.broadcast %rsqrt3A : vector<1000x1xf32> to vector<1000x128xf32>
    %mul3A_37 = arith.mulf %concatenate3A, %mul3A_36 : vector<1000x128xf32>
    %mul3A_38 = arith.constant 5.000000e-01 : f32
    %mul3A_39 = vector.broadcast %mul3A_38 : f32 to vector<1000x128xf32>
    %mul3A_40 = arith.mulf %mul3A_39, %mul3A_37 : vector<1000x128xf32>
    %get3A_41 = arith.constant 0 : index
    %get3A_42 = arith.constant 0 : index
    %get3A_43 = vector.load %arg4[%get3A_41, %get3A_42] : memref<1000x128xf32, #tpu.memory_space<vmem>>, vector<1000x128xf32>
    %mul3A_44 = arith.constant 5.000000e-01 : f32
    %mul3A_45 = vector.broadcast %mul3A_44 : f32 to vector<1000x128xf32>
    %mul3A_46 = arith.mulf %mul3A_45, %get3A_43 : vector<1000x128xf32>
    %add3A_47 = arith.addf %mul3A_40, %mul3A_46 : vector<1000x128xf32>
    %mul3A_48 = arith.constant 5.000000e-01 : f32
    %mul3A_49 = vector.broadcast %mul3A_48 : f32 to vector<1000x128xf32>
    %mul3A_50 = arith.mulf %mul3A_49, %mul3A_35 : vector<1000x128xf32>
    %add3A_51 = arith.addf %add3A_47, %mul3A_50 : vector<1000x128xf32>
    %swap3A = arith.constant 0 : index
    %swap3A_52 = arith.constant 0 : index
    %swap3A_53 = vector.load %arg5[%swap3A, %swap3A_52] : memref<1000x128xf32, #tpu.memory_space<vmem>>, vector<1000x128xf32>
    tpu.vector_store %arg5[%swap3A, %swap3A_52], %add3A_51 {strides = array<i32>} : memref<1000x128xf32, #tpu.memory_space<vmem>>, vector<1000x128xf32>,
    return
  }
  func.func @transform_0(%arg0: i32) -> (i32, i32, i32) {
    %c0_i32 = arith.constant 0 : i32
    %c0_i32_0 = arith.constant 0 : i32
    %c0_i32_1 = arith.constant 0 : i32
    return %c0_i32, %arg0, %c0_i32_0 : i32, i32, i32
  }
  func.func @transform_1(%arg0: i32) -> (i32, i32, i32) {
    %c0_i32 = arith.constant 0 : i32
    %c0_i32_0 = arith.constant 0 : i32
    %c0_i32_1 = arith.constant 0 : i32
    return %c0_i32, %arg0, %c0_i32_0 : i32, i32, i32
  }
  func.func @transform_2(%arg0: i32) -> (i32, i32, i32) {
    %c0_i32 = arith.constant 0 : i32
    %c0_i32_0 = arith.constant 0 : i32
    %c0_i32_1 = arith.constant 0 : i32
    return %c0_i32, %arg0, %c0_i32_0 : i32, i32, i32
  }
  func.func @transform_3(%arg0: i32) -> (i32, i32) {
    %c0_i32 = arith.constant 0 : i32
    %c0_i32_0 = arith.constant 0 : i32
    return %arg0, %c0_i32 : i32, i32
  }
  func.func @transform_4(%arg0: i32) -> (i32, i32) {
    %c0_i32 = arith.constant 0 : i32
    %c0_i32_0 = arith.constant 0 : i32
    return %arg0, %c0_i32 : i32, i32
  }
}

</mosaic_0001>

<sc_bundles>
// kernel: kernel.6.cloned.1.call-start
scs
__scs_entry_jumppad:
0x0: {  	(pc) =	sbr.rel $0x88, $3  }
0x1: {  	(tag) =	ssettag $0x0;
	lr =	simm.s32 $0x1  }
0x2: {  	[smem:$0x3F9D] =	sst lr;
	_ =	strace $0xD0000000  }
0x3: {  	_ = 	snop  }
0x4: {  	_ = 	snop  }
0x5: {  	_ = 	snop  }
0x6: {  	_ = 	snop  }
0x7: {  	_ = 	snop  }
__scs_overlays_trampoline_lowered:
0x8: {  	[smem:$0x3FAC] =	sst s0  }
0x9: {  	[smem:$0x3FAD] =	sst s1  }
0xa: {  	[smem:$0x3FAE] =	sst s2  }
0xb: {  	[smem:$0x3FAF] =	sst s3  }
0xc: {  	[smem:$0x3FB0] =	sst s4  }
0xd: {  	[smem:$0x3FB1] =	sst s5  }
0xe: {  	[smem:$0x3FB2] =	sst s6  }
0xf: {  	[smem:$0x3FB3] =	sst s7  }
0x10: {  	[smem:$0x3FB4] =	sst s8  }
0x11: {  	[smem:$0x3FB5] =	sst s9;
	s0 =	simm.s32 @!p0 $0x0  }
0x12: {  	s1 =	sld [smem:$0x3F9B];
	s0 =	simm.s32 @p0 $0x1  }
0x13: {  	[smem:$0x3FB6] =	sst s0;
	s0 =	simm.s32 @!p1 $0x0  }
0x14: {  	s2 =	sld [smem:$0x3F9A];
	s0 =	simm.s32 @p1 $0x1  }
0x15: {  	[smem:$0x3FB7] =	sst s0;
	s0 =	simm.s32 @!p2 $0x0  }
0x16: {  	s3 =	sld [smem:$0x3FDB];
	s0 =	simm.s32 @p2 $0x1  }
0x17: {  	s4 =	simm.s32 $0x1BF5;
	[smem:$0x3FB9] =	sst s0  }
0x18: {  	s0 =	sld [smem:$0x3F9C];
	_ =	swait.ge [sflag:s4], $0x0  }
0x19: {  	s7 =	sld [smem:$0x3F9D]  }
0x1a: {  	s8 =	sadd.s32 $0xFFFFE003, lr  }
0x1b: {  	s9 =	sadd.s32 $0xFFFFFEF7, lr;
	s5 =	simm.s32 $0xFFFFFFFF;
	p2 =	slt.u32 s8, $0xFFFFF086  }
0x1c: {  	p1 =	slt.u32 s9, $0xF7A;
	s5 =	simm.s32 @!p2 $0x0  }
0x1d: {  	s5 =	simm.s32 @p1 $0x1;
	p0 =	seq.s32 s7, s2  }
0x1e: {  	s7 =	smul.u32 @!p0 $0xF7A, s2;
	p2 =	seq.s32 @!p0 s5, $0x0  }
0x1f: {  	s9 =	smul.u32 $0xF7A, s1;
	s8 =	simm.s32 @!p0 $0x1BF5;
	p2 =	por !p2, p0  }
0x20: {  	[sflag:s8] =	ssyncset.s32 @!p0 $0xFFFFF086;
	s6 =	sadd.s32 @!p0 s3, s7;
	s7 =	simm.s32 @!p0 $0x108  }
0x21: {  	s3 =	sadd.s32 s3, s9;
	s6 =	sadd.s32 @!p0 $0x88, s6;
	s7 =	simm.s32 @p2 $0x1082  }
0x22: {  	[simem:s7], [sflag:s8] =	dma.local @!p0 [hbm:s6], $0xF7A  }
0x23: {  	s9 =	sor.u32 $0xD0000000, s2;
	s6 =	simm.s32 $0x108;
	_ =	swait.ge @!p0 [sflag:s8], $0x0  }
0x24: {  	s3 =	sadd.s32 $0x88, s3;
	s6 =	simm.s32 @!p1 $0x1082;
	[sflag:s4] =	ssyncset.s32 $0xFFFFF086  }
0x25: {  	[simem:s6], [sflag:s4] =	dma.local [hbm:s3], $0xF7A  }
0x26: {  	[smem:$0x3F9D] =	sst s1;
	(tag) =	ssettag s2;
	_ =	strace s9  }
0x27: {  	s1 =	sld [smem:$0x3FAD]  }
0x28: {  	s2 =	sld [smem:$0x3FAE]  }
0x29: {  	s4 =	sld [smem:$0x3FB0]  }
0x2a: {  	p0 =	seq.s32 s5, $0x0;
	s5 =	sld [smem:$0x3FB1]  }
0x2b: {  	s6 =	sld [smem:$0x3FB2]  }
0x2c: {  	s7 =	sld [smem:$0x3FB3]  }
0x2d: {  	s3 =	simm.s32 $0x108;
	s8 =	sld [smem:$0x3FB4]  }
0x2e: {  	s3 =	simm.s32 @!p0 $0x1082;
	s9 =	sld [smem:$0x3FB5]  }
0x2f: {  	lr =	sadd.s32 s0, s3;
	s0 =	sld [smem:$0x3FAC]  }
0x30: {  	s3 =	sld [smem:$0x3FAF]  }
0x31: {  	[smem:$0x3FB8] =	sst s10  }
0x32: {  	s10 =	sld [smem:$0x3FB6];
	_ =	sdelay $0x3  }
0x33: {  	p0 =	seq.s32 s10, $0x1;
	s10 =	sld [smem:$0x3FB8];
	_ =	sdelay $0x3  }
0x34: {  	[smem:$0x3FB8] =	sst s10  }
0x35: {  	s10 =	sld [smem:$0x3FB7];
	_ =	sdelay $0x3  }
0x36: {  	p1 =	seq.s32 s10, $0x1;
	s10 =	sld [smem:$0x3FB8];
	_ =	sdelay $0x3  }
0x37: {  	[smem:$0x3FB8] =	sst s10  }
0x38: {  	s10 =	sld [smem:$0x3FB9]  }
0x39: {  	_ = 	snop;
	(pc) =	sbr.ind lr, $3  }
0x3a: {  	_ = 	snop  }
0x3b: {  	_ = 	snop  }
0x3c: {  	p2 =	seq.s32 s10, $0x1;
	s10 =	sld [smem:$0x3FB8]  }
0x3d: {  	_ =	shalt  }
0x3e: {  	_ =	shalt  }
0x3f: {  	_ =	shalt  }
0x40: {  	_ =	shalt  }
0x41: {  	_ =	shalt  }
0x42: {  	_ =	shalt  }
0x43: {  	_ =	shalt  }
0x44: {  	_ =	shalt  }
0x45: {  	_ =	shalt  }
0x46: {  	_ =	shalt  }
0x47: {  	_ =	shalt  }
0x48: {  	_ =	shalt  }
0x49: {  	_ =	shalt  }
0x4a: {  	_ =	shalt  }
0x4b: {  	_ =	shalt  }
0x4c: {  	_ =	shalt  }
0x4d: {  	_ =	shalt  }
0x4e: {  	_ =	shalt  }
0x4f: {  	_ =	shalt  }
0x50: {  	_ =	shalt  }
0x51: {  	_ =	shalt  }
0x52: {  	_ =	shalt  }
0x53: {  	_ =	shalt  }
0x54: {  	_ =	shalt  }
0x55: {  	_ =	shalt  }
0x56: {  	_ =	shalt  }
0x57: {  	_ =	shalt  }
0x58: {  	_ =	shalt  }
0x59: {  	_ =	shalt  }
0x5a: {  	_ =	shalt  }
0x5b: {  	_ =	shalt  }
0x5c: {  	_ =	shalt  }
0x5d: {  	_ =	shalt  }
0x5e: {  	_ =	shalt  }
0x5f: {  	_ =	shalt  }
0x60: {  	_ =	shalt  }
0x61: {  	_ =	shalt  }
0x62: {  	_ =	shalt  }
0x63: {  	_ =	shalt  }
0x64: {  	_ =	shalt  }
0x65: {  	_ =	shalt  }
0x66: {  	_ =	shalt  }
0x67: {  	_ =	shalt  }
0x68: {  	_ =	shalt  }
0x69: {  	_ =	shalt  }
0x6a: {  	_ =	shalt  }
0x6b: {  	_ =	shalt  }
0x6c: {  	_ =	shalt  }
0x6d: {  	_ =	shalt  }
0x6e: {  	_ =	shalt  }
0x6f: {  	_ =	shalt  }
0x70: {  	_ =	shalt  }
0x71: {  	_ =	shalt  }
0x72: {  	_ =	shalt  }
0x73: {  	_ =	shalt  }
0x74: {  	_ =	shalt  }
0x75: {  	_ =	shalt  }
0x76: {  	_ =	shalt  }
0x77: {  	_ =	shalt  }
0x78: {  	_ =	shalt  }
0x79: {  	_ =	shalt  }
0x7a: {  	_ =	shalt  }
0x7b: {  	_ =	shalt  }
0x7c: {  	_ =	shalt  }
0x7d: {  	_ =	shalt  }
0x7e: {  	_ =	shalt  }
0x7f: {  	_ =	shalt  }
0x80: {  	_ =	shalt  }
0x81: {  	_ =	shalt  }
0x82: {  	_ =	shalt  }
0x83: {  	_ =	shalt  }
0x84: {  	_ =	shalt  }
0x85: {  	_ =	shalt  }
0x86: {  	_ =	shalt  }
0x87: {  	_ =	shalt  }
.Lfunc_end0:
.L_simem_size_0:
called_computation_lowered:
.L_overlay_start_0:
0x88: {  	s2 =	sld [smem:$0x3FD9]  }
0x89: {  	s3 =	sld [smem:$0x3FFE];
	_ =	sdelay $0x1  }
0x8a: {  	s1 =	srdreg.scid  }
0x8b: {  	s0 =	sand.u32 $0x1, s1  }
0x8c: {  	s17 =	sshll.u32 s0, $0xA;
	s2 =	sadd.s32 s3, s2  }
0x8d: {  	s2 =	sadd.s32 s2, s17  }
0x8e: {  	[smem:$0x3FC4] =	sst s2  }
0x8f: {  	_ = 	snop  }
0x90: {  	s2 =	sld [smem:$0x3FD0];
	(tm) =	ssettm $0x1  }
0x91: {  	s18 =	sld [smem:$0x3FFB];
	_ =	sdelay $0x3  }
0x92: {  	_ =	strace s18  }
0x93: {  	s3 =	sld [smem:$0x3FFC];
	_ =	sdelay $0x3  }
0x94: {  	_ =	strace s3  }
0x95: {  	s3 =	sld [smem:$0x3FFD];
	_ =	sdelay $0x3  }
0x96: {  	_ =	strace s3  }
0x97: {  	_ =	strace $0x8FFFFFFF  }
0x98: {  	s19 =	sld [smem:$0x3FDB];
	_ =	sdelay $0x1  }
0x99: {  	s4 =	simm.s32 $_scs_section_size  }
0x9a: {  	s5 =	simm.s32 $_size__tile_overlayer_lowered;
	s6 =	simm.s32 $_tile_overlayer_lowered  }
0x9b: {  	s22 =	simm.s32 $0x1BFF;
	s21 =	sshll.u32 s6, $0x1;
	s3 =	sadd.s32 s4, s19  }
0x9c: {  	s7 =	simm.s32 $0x0;
	s20 =	sshll.u32 s5, $0x1;
	s5 =	sadd.s32 s21, s3  }
0x9d: {  	[timem:s7], [sflag:s22] =	dma.local [hbm:s5], s20  }
0x9e: {  	_ =	swait.ge [sflag:s22], s20  }
0x9f: {  	s4 =	ssub.s32 $0x0, s20;
	[sflag:s22] =	ssyncset.done $0x0  }
0xa0: {  	[sflag:s22] =	ssyncadd.s32 s4;
	_ =	sdelay $0x1  }
0xa1: {  	s23 =	simm.s32 $0x1B8B  }
0xa2: {  	_ =	swait.ge [sflag:s23], $0x1  }
0xa3: {  	[sflag:s23] =	ssyncset.done $0x0  }
0xa4: {  	s25 =	simm.s32 $0x1B8E;
	s24 =	sld [smem:$0x3FFE];
	[sflag:s23] =	ssyncadd.s32 $0xFFFFFFFF  }
0xa5: {  	s26 =	simm.s32 $execute0_lowered;
	[smem:$0x3FD2] =	sst s25  }
0xa6: {  	s5 =	sshll.u32 s26, $0x1;
	_ =	strace $0x80000046;
	[dreg:$0x1] =	wrdreg $0xFFFFFFFF  }
0xa7: {  	s28 =	simm.s32 $_size_execute0_lowered;
	s3 =	sadd.s32 s3, s5;
	[dreg:$0x0] =	wrdreg $0x0  }
0xa8: {  	s5 =	sshll.u32 s28, $0x1;
	[dreg:$0x2] =	wrdreg s3  }
0xa9: {  	[dreg:$0x3] =	wrdreg s5  }
0xaa: {  	[dreg:$0x4] =	wrdreg $0xC0  }
0xab: {  	_ =	task [dreg:s7], $0x5FFFF  }
0xac: {  	[dreg:$0x1] =	wrdreg $0xFFFFFFFF  }
0xad: {  	[dreg:$0x0] =	wrdreg $0x60  }
0xae: {  	[dreg:$0x2] =	wrdreg s24  }
0xaf: {  	[dreg:$0x3] =	wrdreg s2  }
0xb0: {  	[dreg:$0x4] =	wrdreg $0x2C100  }
0xb1: {  	[dreg:$0x5] =	wrdreg $0x9  }
0xb2: {  	_ =	task.clear_ibuf [dreg:s7], $0x6FFFF;
	_ =	strace $0x90000046  }
0xb3: {  	s29 =	simm.s32 $0x9;
	_ =	strace $0x80000048  }
0xb4: {  	_ =	swait.ge [sflag:s29], $0x1  }
0xb5: {  	[sflag:s29] =	ssyncadd.s32 $0xFFFFFFFF  }
0xb6: {  	_ =	strace $0x90000048  }
0xb7: {  	_ =	sfence  }
0xb8: {  	s30 =	sld [smem:$0x0];
	_ =	sdelay $0x2  }
0xb9: {  	s31 =	sshll.u32 s1, $0xD;
	s1 =	sshrl.u32 s1, $0x2  }
0xba: {  	s3 =	sand.u32 $0x4000, s31;
	s1 =	sadd.s32 s1, s30  }
0xbb: {  	s0 =	sor.u32 s3, s0;
	s1 =	sshll.u32 s1, $0x11  }
0xbc: {  	s0 =	sor.u32 s1, s0  }
0xbd: {  	s0 =	sadd.s32 $0x8F2B, s0  }
0xbe: {  	[sflag:s0] =	ssyncadd.remote.s32 $0x1  }
0xbf: {  	_ =	sfence.sel $0xFFFF  }
0xc0: {  	[dreg:$0x0] =	wrdreg $0xFFFFFFFF;
	(pc) =	sbr.abs _section_cstart, $3  }
0xc1: {  	[dreg:$0x1] =	wrdreg $0xFFFFFFFF  }
0xc2: {  	_ =	task.clear_ibuf [dreg:s7], $0x2FFFF;
	_ =	strace $0x9FFFFFFF  }
0xc3: {  	(tm) =	ssettm $0x7FFFFFFF  }
tec
execute0_lowered:
.L_overlay_start_1:
0x0: {  	(tag) =	ssettag $0x1  }
0x1: {  	s5 =	rddreg [dreg:$0x0];
	s1 =	srdreg.scid  }
0x2: {  	s0 =	stileid.u32;
	s8 =	rddreg [dreg:$0x1]  }
0x3: {  	s2 =	rddreg [dreg:$0x2];
	s3 =	simm.s32 $0x0;
	s16 =	simm.s32 $0x50  }
0x4: {  	s17 =	simm.s32 $0x2;
	s19 =	simm.s32 $0x0;
	s4 =	sand.u32 $0x1, s1  }
0x5: {  	s29 =	sshll.u32 s0, $0x1;
	s1 =	rddreg [dreg:$0x3];
	s7 =	smul.u32 $0x9C00, s0  }
0x6: {  	[smem:$0x7FF] =	sst s3;
	s12 =	smul.u32 $0x2700, s0;
	s13 =	sadd.s32 $0x24900, s2  }
0x7: {  	p0 =	seq.s32 s0, $0xF;
	s6 =	sor.u32 s4, s29;
	_ =	strace $0x80000047  }
0x8: {  	s9 =	ssub.s32 $0x2, s4;
	s10 =	smul.u32 $0x27100, s4;
	s4 =	sadd.s32 $0xAE00, s5  }
0x9: {  	s15 =	sshll.u32 @!p0 s0, $0x6;
	s6 =	smul.u32 $0x4E2, s6;
	s11 =	sshrl.u32 s9, $0x1  }
0xa: {  	s7 =	sshrl.u32 s7, $0x2;
	s18 =	sadd.s32 s12, s2;
	s9 =	ssub.s32 s9, s11  }
0xb: {  	s30 =	sadd.s32 s12, s10;
	s14 =	sadd.s32 s7, s2;
	s10 =	sshrl.u32 s10, $0x3  }
0xc: {  	s11 =	simm.s32 $0x3;
	s12 =	sshrl.u32 @p0 s13, $0x3;
	s13 =	sor.u32 @!p0 $0x1C03, s15  }
0xd: {  	s15 =	simm.s32 $0x1;
	s18 =	sshrl.u32 @!p0 s18, $0x3;
	s6 =	sadd.s32 s6, s5  }
0xe: {  	s5 =	sadd.s32 $0xB000, s5;
	s31 =	sshrl.u32 s30, $0x3;
	s9 =	smax.u32 s9, $0x1  }
0xf: {  	s14 =	sshrl.u32 @!p0 s14, $0x3;
	s7 =	sadd.s32 s8, s31;
	s8 =	sadd.s32 s8, s10  }
0x10: {  	s6 =	sadd.s32 $0x1000, s6;
	s10 =	simm.s32 $0x2710;
	s8 =	sadd.s32 $0x4920, s8  }
.LBB2_1:
0x11: {  	[tilespmem:s3], [sflag:$0x1] =	stream.linear.gather [hbm4b:s6+s3], $0x2710, $0x38;
	[tilespmem:$0x5320] =	vst v63  }
0x12: {  	_ = 	snop  }
0x13: {  	[tilespmem:s10], [sflag:$0x3] =	stream.linear.gather [hbm4b:s4+s3], $0x500, $0x38;
	[tilespmem:$0x5320] =	vst v63  }
0x14: {  	_ =	swait.ge [sflag:s11], $0x500  }
0x15: {  	[sflag:s11] =	ssyncset.done $0x0  }
0x16: {  	s20 =	simm.s32 @p0 $0x1FC3;
	[sflag:s11] =	ssyncadd.s32 $0xFFFFFB00  }
0x17: {  	[spmem:s12], [sflag:s20] =	dma.local @p0 [hbm:s5], $0x500  }
0x18: {  	s20 =	simm.s32 @p0 $0x3  }
0x19: {  	_ =	swait.ge @p0 [sflag:s20], $0x500  }
0x1a: {  	[sflag:s20] =	ssyncset.done @p0 $0x0  }
0x1b: {  	[sflag:s20] =	ssyncadd.s32 @p0 $0xFFFFFB00;
	s20 =	simm.s32 @!p0 $0x3  }
0x1c: {  	[spmem:s14], [sflag:s13] =	dma.local @!p0 [hbm:s5], $0x4E0  }
0x1d: {  	_ =	swait.ge @!p0 [sflag:s20], $0x4E0  }
0x1e: {  	[sflag:s20] =	ssyncset.done @!p0 $0x0  }
0x1f: {  	[sflag:s20] =	ssyncadd.s32 @!p0 $0xFFFFFB20  }
0x20: {  	_ =	swait.ge [sflag:s15], $0x2710  }
0x21: {  	[sflag:s15] =	ssyncset.done $0x0  }
0x22: {  	[sflag:s15] =	ssyncadd.s32 $0xFFFFD8F0  }
0x23: {  	s26 =	simm.s32 $0x0;
	[bflag:$0x0] =	sbarrier.arrive $0xFFFF  }
0x24: {  	[spmem:s2] =	stream.indirect.scatter.add.f32 [tilespmem:s10], [sflag:$0x2], $0x10, s26, s16, $0xb8;
	[tilespmem:$0x5320] =	vst v63  }
0x25: {  	s28 =	simm.s32 $0x50  }
0x26: {  	[spmem:s2] =	stream.indirect.scatter.add.f32 [tilespmem:s10], [sflag:$0x2], $0x10, s28, s16, $0xb8;
	[tilespmem:$0x5320] =	vst v63  }
0x27: {  	s29 =	simm.s32 $0xA0  }
0x28: {  	[spmem:s2] =	stream.indirect.scatter.add.f32 [tilespmem:s10], [sflag:$0x2], $0x10, s29, s16, $0xb8;
	[tilespmem:$0x5320] =	vst v63  }
0x29: {  	s30 =	simm.s32 $0xF0  }
0x2a: {  	[spmem:s2] =	stream.indirect.scatter.add.f32 [tilespmem:s10], [sflag:$0x2], $0x10, s30, s16, $0xb8;
	[tilespmem:$0x5320] =	vst v63  }
0x2b: {  	s31 =	simm.s32 $0x140  }
0x2c: {  	[spmem:s2] =	stream.indirect.scatter.add.f32 [tilespmem:s10], [sflag:$0x2], $0x10, s31, s16, $0xb8;
	[tilespmem:$0x5320] =	vst v63  }
0x2d: {  	_ =	swait.ge [sflag:s17], $0x500  }
0x2e: {  	[sflag:s17] =	ssyncset.done $0x0  }
0x2f: {  	[sflag:s17] =	ssyncadd.s32 $0xFFFFFB00  }
0x30: {  	_ =	swait.ge [sflag:s17], $0x500  }
0x31: {  	[sflag:s17] =	ssyncset.done $0x0  }
0x32: {  	[sflag:s17] =	ssyncadd.s32 $0xFFFFFB00  }
0x33: {  	_ =	swait.ge [sflag:s17], $0x500  }
0x34: {  	[sflag:s17] =	ssyncset.done $0x0  }
0x35: {  	[sflag:s17] =	ssyncadd.s32 $0xFFFFFB00  }
0x36: {  	_ =	swait.ge [sflag:s17], $0x500  }
0x37: {  	[sflag:s17] =	ssyncset.done $0x0  }
0x38: {  	[sflag:s17] =	ssyncadd.s32 $0xFFFFFB00  }
0x39: {  	_ =	swait.ge [sflag:s17], $0x500  }
0x3a: {  	s21 =	simm.s32 $0xC80;
	s20 =	simm.s32 $0x640;
	[sflag:s17] =	ssyncset.done $0x0  }
.LBB2_2:
0x3b: {  	s22 =	sshra.s32 s20, $0x2  }
0x3c: {  	[sflag:s17] =	ssyncadd.s32 $0xFFFFFB00;
	s20 =	smov.u32 s21;
	s23 =	sadd.s32 $0x640, s21  }
0x3d: {  	[spmem:s2] =	stream.indirect.scatter.add.f32 [tilespmem:s10], [sflag:$0x2], $0x10, s22, s16, $0xb8;
	[tilespmem:$0x5320] =	vst v63  }
0x3e: {  	p1 =	sne.s32 s21, $0x9600;
	s21 =	sadd.s32 $0x50, s22  }
0x3f: {  	[spmem:s2] =	stream.indirect.scatter.add.f32 [tilespmem:s10], [sflag:$0x2], $0x10, s21, s16, $0xb8;
	[tilespmem:$0x5320] =	vst v63  }
0x40: {  	s21 =	sadd.s32 $0xA0, s22  }
0x41: {  	[spmem:s2] =	stream.indirect.scatter.add.f32 [tilespmem:s10], [sflag:$0x2], $0x10, s21, s16, $0xb8;
	[tilespmem:$0x5320] =	vst v63  }
0x42: {  	s21 =	sadd.s32 $0xF0, s22  }
0x43: {  	[spmem:s2] =	stream.indirect.scatter.add.f32 [tilespmem:s10], [sflag:$0x2], $0x10, s21, s16, $0xb8;
	[tilespmem:$0x5320] =	vst v63  }
0x44: {  	s21 =	sadd.s32 $0x140, s22  }
0x45: {  	[spmem:s2] =	stream.indirect.scatter.add.f32 [tilespmem:s10], [sflag:$0x2], $0x10, s21, s16, $0xb8;
	[tilespmem:$0x5320] =	vst v63  }
0x46: {  	_ =	swait.ge [sflag:s17], $0x500  }
0x47: {  	[sflag:s17] =	ssyncset.done $0x0  }
0x48: {  	[sflag:s17] =	ssyncadd.s32 $0xFFFFFB00  }
0x49: {  	_ =	swait.ge [sflag:s17], $0x500  }
0x4a: {  	[sflag:s17] =	ssyncset.done $0x0  }
0x4b: {  	[sflag:s17] =	ssyncadd.s32 $0xFFFFFB00  }
0x4c: {  	_ =	swait.ge [sflag:s17], $0x500  }
0x4d: {  	[sflag:s17] =	ssyncset.done $0x0  }
0x4e: {  	[sflag:s17] =	ssyncadd.s32 $0xFFFFFB00  }
.Ltmp0:
0x4f: {  	_ =	swait.ge [sflag:s17], $0x500;
	(pc) =	sbr.rel @p1 .LBB2_2-.Ltmp0, $4  }
0x50: {  	[sflag:s17] =	ssyncset.done $0x0  }
0x51: {  	[sflag:s17] =	ssyncadd.s32 $0xFFFFFB00  }
0x52: {  	_ =	swait.ge [sflag:s17], $0x500  }
0x53: {  	s21 =	smov.u32 s23;
	[sflag:s17] =	ssyncset.done $0x0  }
0x54: {  	s20 =	sshra.s32 s20, $0x2;
	[sflag:s17] =	ssyncadd.s32 $0xFFFFFB00  }
0x55: {  	[spmem:s2] =	stream.indirect.scatter.add.f32 [tilespmem:s10], [sflag:$0x2], $0x10, s20, s16, $0xb8;
	[tilespmem:$0x5320] =	vst v63  }
0x56: {  	s21 =	sadd.s32 $0x50, s20  }
0x57: {  	[spmem:s2] =	stream.indirect.scatter.add.f32 [tilespmem:s10], [sflag:$0x2], $0x10, s21, s16, $0xb8;
	[tilespmem:$0x5320] =	vst v63  }
0x58: {  	s30 =	sadd.s32 $0xA0, s20  }
0x59: {  	[spmem:s2] =	stream.indirect.scatter.add.f32 [tilespmem:s10], [sflag:$0x2], $0x10, s30, s16, $0xb8;
	[tilespmem:$0x5320] =	vst v63  }
0x5a: {  	s31 =	sadd.s32 $0xF0, s20  }
0x5b: {  	[spmem:s2] =	stream.indirect.scatter.add.f32 [tilespmem:s10], [sflag:$0x2], $0x10, s31, s16, $0xb8;
	[tilespmem:$0x5320] =	vst v63  }
0x5c: {  	s20 =	sadd.s32 $0x140, s20  }
0x5d: {  	[spmem:s2] =	stream.indirect.scatter.add.f32 [tilespmem:s10], [sflag:$0x2], $0x10, s20, s16, $0xb8;
	[tilespmem:$0x5320] =	vst v63  }
0x5e: {  	_ =	swait.ge [sflag:s17], $0x500  }
0x5f: {  	[sflag:s17] =	ssyncset.done $0x0  }
0x60: {  	[sflag:s17] =	ssyncadd.s32 $0xFFFFFB00  }
0x61: {  	_ =	swait.ge [sflag:s17], $0x500  }
0x62: {  	[sflag:s17] =	ssyncset.done $0x0  }
0x63: {  	[sflag:s17] =	ssyncadd.s32 $0xFFFFFB00  }
0x64: {  	_ =	swait.ge [sflag:s17], $0x500  }
0x65: {  	[sflag:s17] =	ssyncset.done $0x0  }
0x66: {  	[sflag:s17] =	ssyncadd.s32 $0xFFFFFB00  }
0x67: {  	_ =	swait.ge [sflag:s17], $0x500  }
0x68: {  	[sflag:s17] =	ssyncset.done $0x0  }
0x69: {  	[sflag:s17] =	ssyncadd.s32 $0xFFFFFB00  }
0x6a: {  	_ =	swait.ge [sflag:s17], $0x500  }
0x6b: {  	[sflag:s17] =	ssyncset.done $0x0  }
0x6c: {  	[sflag:s17] =	ssyncadd.s32 $0xFFFFFB00  }
0x6d: {  	s20 =	simm.s32 @p0 $0x1FC3;
	[bflag:$0x0] =	sbarrier.arrive $0xFFFF  }
0x6e: {  	[hbm:s8], [sflag:s20] =	dma.local @p0 [spmem:s12], $0x500  }
0x6f: {  	s20 =	simm.s32 @p0 $0x3  }
0x70: {  	s19 =	sadd.s32 $0x1, s19;
	_ =	swait.ge @p0 [sflag:s20], $0x500  }
0x71: {  	p1 =	sne.s32 s19, s9;
	[sflag:s20] =	ssyncset.done @p0 $0x0  }
.Ltmp1:
0x72: {  	[sflag:s20] =	ssyncadd.s32 @p0 $0xFFFFFB00;
	s20 =	simm.s32 @!p0 $0x3;
	(pc) =	sbr.rel @p1 .LBB2_1-.Ltmp1, $4  }
0x73: {  	[hbm:s7], [sflag:s13] =	dma.local @!p0 [spmem:s18], $0x4E0  }
0x74: {  	_ =	swait.ge @!p0 [sflag:s20], $0x4E0  }
0x75: {  	[sflag:s20] =	ssyncset.done @!p0 $0x0  }
0x76: {  	[sflag:s20] =	ssyncadd.s32 @!p0 $0xFFFFFB20  }
0x77: {  	_ =	sfence.sel $0x180000  }
0x78: {  	[bflag:$0x0] =	sbarrier.arrive $0xFFFF  }
0x79: {  	p0 =	sne.s32 s0, $0x0;
	_ =	strace $0x90000047  }
0x7a: {  	s0 =	sadd.s32 @!p0 $0x100000, s1;
	[bflag:$0x2] =	sbarrier.arrive $0xFFFF  }
0x7b: {  	[sflag:s0] =	ssyncadd.tile.s32 @!p0 $0x1;
	_ =	shalt  }
.Lfunc_end2:
_tile_overlayer_lowered:
.L_overlay_start_2:
0x7c: {  	(tag) =	ssettag $0x2  }
0x7d: {  	s0 =	rddreg [dreg:$0x0];
	s2 =	stileid.u32  }
0x7e: {  	s1 =	rddreg [dreg:$0x1];
	p0 =	sne.s32 s2, $0x0  }
0x7f: {  	s3 =	rddreg [dreg:$0x2];
	[bflag:$0x3] =	sbarrier.arrive $0xFFFF;
	s2 =	simm.s32 @!p0 $0x1C03  }
0x80: {  	[timem:s3], [sflag:s2] =	dma.local @!p0 [hbm:s0], s1  }
0x81: {  	s0 =	simm.s32 @!p0 $0x3  }
0x82: {  	_ =	swait.ge @!p0 [sflag:s0], s1  }
0x83: {  	s1 =	ssub.s32 @!p0 $0x0, s1;
	[sflag:s0] =	ssyncset.done @!p0 $0x0  }
0x84: {  	[sflag:s0] =	ssyncadd.s32 @!p0 s1  }
0x85: {  	[bflag:$0x3] =	sbarrier.arrive $0xFFFF  }
0x86: {  	_ =	shalt  }

// kernel: kernel.9.cloned.1.call-start
scs
__scs_entry_jumppad:
0x0: {  	(pc) =	sbr.rel $0x88, $3  }
0x1: {  	(tag) =	ssettag $0x0;
	lr =	simm.s32 $0x1  }
0x2: {  	[smem:$0x3F9D] =	sst lr;
	_ =	strace $0xD0000000  }
0x3: {  	_ = 	snop  }
0x4: {  	_ = 	snop  }
0x5: {  	_ = 	snop  }
0x6: {  	_ = 	snop  }
0x7: {  	_ = 	snop  }
__scs_overlays_trampoline_lowered:
0x8: {  	[smem:$0x3FAC] =	sst s0  }
0x9: {  	[smem:$0x3FAD] =	sst s1  }
0xa: {  	[smem:$0x3FAE] =	sst s2  }
0xb: {  	[smem:$0x3FAF] =	sst s3  }
0xc: {  	[smem:$0x3FB0] =	sst s4  }
0xd: {  	[smem:$0x3FB1] =	sst s5  }
0xe: {  	[smem:$0x3FB2] =	sst s6  }
0xf: {  	[smem:$0x3FB3] =	sst s7  }
0x10: {  	[smem:$0x3FB4] =	sst s8  }
0x11: {  	[smem:$0x3FB5] =	sst s9;
	s0 =	simm.s32 @!p0 $0x0  }
0x12: {  	s1 =	sld [smem:$0x3F9B];
	s0 =	simm.s32 @p0 $0x1  }
0x13: {  	[smem:$0x3FB6] =	sst s0;
	s0 =	simm.s32 @!p1 $0x0  }
0x14: {  	s2 =	sld [smem:$0x3F9A];
	s0 =	simm.s32 @p1 $0x1  }
0x15: {  	[smem:$0x3FB7] =	sst s0;
	s0 =	simm.s32 @!p2 $0x0  }
0x16: {  	s3 =	sld [smem:$0x3FDB];
	s0 =	simm.s32 @p2 $0x1  }
0x17: {  	s4 =	simm.s32 $0x1BF5;
	[smem:$0x3FB9] =	sst s0  }
0x18: {  	s0 =	sld [smem:$0x3F9C];
	_ =	swait.ge [sflag:s4], $0x0  }
0x19: {  	s7 =	sld [smem:$0x3F9D]  }
0x1a: {  	s8 =	sadd.s32 $0xFFFFE003, lr  }
0x1b: {  	s9 =	sadd.s32 $0xFFFFFEF7, lr;
	s5 =	simm.s32 $0xFFFFFFFF;
	p2 =	slt.u32 s8, $0xFFFFF086  }
0x1c: {  	p1 =	slt.u32 s9, $0xF7A;
	s5 =	simm.s32 @!p2 $0x0  }
0x1d: {  	s5 =	simm.s32 @p1 $0x1;
	p0 =	seq.s32 s7, s2  }
0x1e: {  	s7 =	smul.u32 @!p0 $0xF7A, s2;
	p2 =	seq.s32 @!p0 s5, $0x0  }
0x1f: {  	s9 =	smul.u32 $0xF7A, s1;
	s8 =	simm.s32 @!p0 $0x1BF5;
	p2 =	por !p2, p0  }
0x20: {  	[sflag:s8] =	ssyncset.s32 @!p0 $0xFFFFF086;
	s6 =	sadd.s32 @!p0 s3, s7;
	s7 =	simm.s32 @!p0 $0x108  }
0x21: {  	s3 =	sadd.s32 s3, s9;
	s6 =	sadd.s32 @!p0 $0x88, s6;
	s7 =	simm.s32 @p2 $0x1082  }
0x22: {  	[simem:s7], [sflag:s8] =	dma.local @!p0 [hbm:s6], $0xF7A  }
0x23: {  	s9 =	sor.u32 $0xD0000000, s2;
	s6 =	simm.s32 $0x108;
	_ =	swait.ge @!p0 [sflag:s8], $0x0  }
0x24: {  	s3 =	sadd.s32 $0x88, s3;
	s6 =	simm.s32 @!p1 $0x1082;
	[sflag:s4] =	ssyncset.s32 $0xFFFFF086  }
0x25: {  	[simem:s6], [sflag:s4] =	dma.local [hbm:s3], $0xF7A  }
0x26: {  	[smem:$0x3F9D] =	sst s1;
	(tag) =	ssettag s2;
	_ =	strace s9  }
0x27: {  	s1 =	sld [smem:$0x3FAD]  }
0x28: {  	s2 =	sld [smem:$0x3FAE]  }
0x29: {  	s4 =	sld [smem:$0x3FB0]  }
0x2a: {  	p0 =	seq.s32 s5, $0x0;
	s5 =	sld [smem:$0x3FB1]  }
0x2b: {  	s6 =	sld [smem:$0x3FB2]  }
0x2c: {  	s7 =	sld [smem:$0x3FB3]  }
0x2d: {  	s3 =	simm.s32 $0x108;
	s8 =	sld [smem:$0x3FB4]  }
0x2e: {  	s3 =	simm.s32 @!p0 $0x1082;
	s9 =	sld [smem:$0x3FB5]  }
0x2f: {  	lr =	sadd.s32 s0, s3;
	s0 =	sld [smem:$0x3FAC]  }
0x30: {  	s3 =	sld [smem:$0x3FAF]  }
0x31: {  	[smem:$0x3FB8] =	sst s10  }
0x32: {  	s10 =	sld [smem:$0x3FB6];
	_ =	sdelay $0x3  }
0x33: {  	p0 =	seq.s32 s10, $0x1;
	s10 =	sld [smem:$0x3FB8];
	_ =	sdelay $0x3  }
0x34: {  	[smem:$0x3FB8] =	sst s10  }
0x35: {  	s10 =	sld [smem:$0x3FB7];
	_ =	sdelay $0x3  }
0x36: {  	p1 =	seq.s32 s10, $0x1;
	s10 =	sld [smem:$0x3FB8];
	_ =	sdelay $0x3  }
0x37: {  	[smem:$0x3FB8] =	sst s10  }
0x38: {  	s10 =	sld [smem:$0x3FB9]  }
0x39: {  	_ = 	snop;
	(pc) =	sbr.ind lr, $3  }
0x3a: {  	_ = 	snop  }
0x3b: {  	_ = 	snop  }
0x3c: {  	p2 =	seq.s32 s10, $0x1;
	s10 =	sld [smem:$0x3FB8]  }
0x3d: {  	_ =	shalt  }
0x3e: {  	_ =	shalt  }
0x3f: {  	_ =	shalt  }
0x40: {  	_ =	shalt  }
0x41: {  	_ =	shalt  }
0x42: {  	_ =	shalt  }
0x43: {  	_ =	shalt  }
0x44: {  	_ =	shalt  }
0x45: {  	_ =	shalt  }
0x46: {  	_ =	shalt  }
0x47: {  	_ =	shalt  }
0x48: {  	_ =	shalt  }
0x49: {  	_ =	shalt  }
0x4a: {  	_ =	shalt  }
0x4b: {  	_ =	shalt  }
0x4c: {  	_ =	shalt  }
0x4d: {  	_ =	shalt  }
0x4e: {  	_ =	shalt  }
0x4f: {  	_ =	shalt  }
0x50: {  	_ =	shalt  }
0x51: {  	_ =	shalt  }
0x52: {  	_ =	shalt  }
0x53: {  	_ =	shalt  }
0x54: {  	_ =	shalt  }
0x55: {  	_ =	shalt  }
0x56: {  	_ =	shalt  }
0x57: {  	_ =	shalt  }
0x58: {  	_ =	shalt  }
0x59: {  	_ =	shalt  }
0x5a: {  	_ =	shalt  }
0x5b: {  	_ =	shalt  }
0x5c: {  	_ =	shalt  }
0x5d: {  	_ =	shalt  }
0x5e: {  	_ =	shalt  }
0x5f: {  	_ =	shalt  }
0x60: {  	_ =	shalt  }
0x61: {  	_ =	shalt  }
0x62: {  	_ =	shalt  }
0x63: {  	_ =	shalt  }
0x64: {  	_ =	shalt  }
0x65: {  	_ =	shalt  }
0x66: {  	_ =	shalt  }
0x67: {  	_ =	shalt  }
0x68: {  	_ =	shalt  }
0x69: {  	_ =	shalt  }
0x6a: {  	_ =	shalt  }
0x6b: {  	_ =	shalt  }
0x6c: {  	_ =	shalt  }
0x6d: {  	_ =	shalt  }
0x6e: {  	_ =	shalt  }
0x6f: {  	_ =	shalt  }
0x70: {  	_ =	shalt  }
0x71: {  	_ =	shalt  }
0x72: {  	_ =	shalt  }
0x73: {  	_ =	shalt  }
0x74: {  	_ =	shalt  }
0x75: {  	_ =	shalt  }
0x76: {  	_ =	shalt  }
0x77: {  	_ =	shalt  }
0x78: {  	_ =	shalt  }
0x79: {  	_ =	shalt  }
0x7a: {  	_ =	shalt  }
0x7b: {  	_ =	shalt  }
0x7c: {  	_ =	shalt  }
0x7d: {  	_ =	shalt  }
0x7e: {  	_ =	shalt  }
0x7f: {  	_ =	shalt  }
0x80: {  	_ =	shalt  }
0x81: {  	_ =	shalt  }
0x82: {  	_ =	shalt  }
0x83: {  	_ =	shalt  }
0x84: {  	_ =	shalt  }
0x85: {  	_ =	shalt  }
0x86: {  	_ =	shalt  }
0x87: {  	_ =	shalt  }
.Lfunc_end0:
.L_simem_size_0:
called_computation.1_lowered:
.L_overlay_start_0:
0x88: {  	s2 =	sld [smem:$0x3FD9]  }
0x89: {  	s3 =	sld [smem:$0x3FFE];
	_ =	sdelay $0x1  }
0x8a: {  	s1 =	srdreg.scid  }
0x8b: {  	s0 =	sand.u32 $0x1, s1  }
0x8c: {  	s17 =	sshll.u32 s0, $0xA;
	s2 =	sadd.s32 s3, s2  }
0x8d: {  	s2 =	sadd.s32 s2, s17  }
0x8e: {  	[smem:$0x3FC4] =	sst s2  }
0x8f: {  	_ = 	snop  }
0x90: {  	s2 =	sld [smem:$0x3FD0];
	(tm) =	ssettm $0x1  }
0x91: {  	s18 =	sld [smem:$0x3FFB];
	_ =	sdelay $0x3  }
0x92: {  	_ =	strace s18  }
0x93: {  	s3 =	sld [smem:$0x3FFC];
	_ =	sdelay $0x3  }
0x94: {  	_ =	strace s3  }
0x95: {  	s3 =	sld [smem:$0x3FFD];
	_ =	sdelay $0x3  }
0x96: {  	_ =	strace s3  }
0x97: {  	_ =	strace $0x8FFFFFFF  }
0x98: {  	s19 =	sld [smem:$0x3FDB];
	_ =	sdelay $0x1  }
0x99: {  	s4 =	simm.s32 $_scs_section_size  }
0x9a: {  	s5 =	simm.s32 $_size__tile_overlayer_lowered;
	s6 =	simm.s32 $_tile_overlayer_lowered  }
0x9b: {  	s22 =	simm.s32 $0x1BFF;
	s21 =	sshll.u32 s6, $0x1;
	s3 =	sadd.s32 s4, s19  }
0x9c: {  	s7 =	simm.s32 $0x0;
	s20 =	sshll.u32 s5, $0x1;
	s5 =	sadd.s32 s21, s3  }
0x9d: {  	[timem:s7], [sflag:s22] =	dma.local [hbm:s5], s20  }
0x9e: {  	_ =	swait.ge [sflag:s22], s20  }
0x9f: {  	s4 =	ssub.s32 $0x0, s20;
	[sflag:s22] =	ssyncset.done $0x0  }
0xa0: {  	[sflag:s22] =	ssyncadd.s32 s4;
	_ =	sdelay $0x1  }
0xa1: {  	s23 =	simm.s32 $0x1B8B  }
0xa2: {  	_ =	swait.ge [sflag:s23], $0x1  }
0xa3: {  	[sflag:s23] =	ssyncset.done $0x0  }
0xa4: {  	s25 =	simm.s32 $0x1B8E;
	s24 =	sld [smem:$0x3FFE];
	[sflag:s23] =	ssyncadd.s32 $0xFFFFFFFF  }
0xa5: {  	s26 =	simm.s32 $execute0_lowered;
	[smem:$0x3FD2] =	sst s25  }
0xa6: {  	s5 =	sshll.u32 s26, $0x1;
	_ =	strace $0x80000049;
	[dreg:$0x1] =	wrdreg $0xFFFFFFFF  }
0xa7: {  	s28 =	simm.s32 $_size_execute0_lowered;
	s3 =	sadd.s32 s3, s5;
	[dreg:$0x0] =	wrdreg $0x0  }
0xa8: {  	s5 =	sshll.u32 s28, $0x1;
	[dreg:$0x2] =	wrdreg s3  }
0xa9: {  	[dreg:$0x3] =	wrdreg s5  }
0xaa: {  	[dreg:$0x4] =	wrdreg $0xC0  }
0xab: {  	_ =	task [dreg:s7], $0x5FFFF  }
0xac: {  	[dreg:$0x1] =	wrdreg $0xFFFFFFFF  }
0xad: {  	[dreg:$0x0] =	wrdreg $0x60  }
0xae: {  	[dreg:$0x2] =	wrdreg s24  }
0xaf: {  	[dreg:$0x3] =	wrdreg s2  }
0xb0: {  	[dreg:$0x4] =	wrdreg $0x11E400  }
0xb1: {  	[dreg:$0x5] =	wrdreg $0x9  }
0xb2: {  	_ =	task.clear_ibuf [dreg:s7], $0x6FFFF;
	_ =	strace $0x90000049  }
0xb3: {  	s29 =	simm.s32 $0x9;
	_ =	strace $0x8000004B  }
0xb4: {  	_ =	swait.ge [sflag:s29], $0x1  }
0xb5: {  	[sflag:s29] =	ssyncadd.s32 $0xFFFFFFFF  }
0xb6: {  	_ =	strace $0x9000004B  }
0xb7: {  	_ =	sfence  }
0xb8: {  	s30 =	sld [smem:$0x0];
	_ =	sdelay $0x2  }
0xb9: {  	s31 =	sshll.u32 s1, $0xD;
	s1 =	sshrl.u32 s1, $0x2  }
0xba: {  	s3 =	sand.u32 $0x4000, s31;
	s1 =	sadd.s32 s1, s30  }
0xbb: {  	s0 =	sor.u32 s3, s0;
	s1 =	sshll.u32 s1, $0x11  }
0xbc: {  	s0 =	sor.u32 s1, s0  }
0xbd: {  	s0 =	sadd.s32 $0x8F2B, s0  }
0xbe: {  	[sflag:s0] =	ssyncadd.remote.s32 $0x1  }
0xbf: {  	_ =	sfence.sel $0xFFFF  }
0xc0: {  	[dreg:$0x0] =	wrdreg $0xFFFFFFFF;
	(pc) =	sbr.abs _section_cstart, $3  }
0xc1: {  	[dreg:$0x1] =	wrdreg $0xFFFFFFFF  }
0xc2: {  	_ =	task.clear_ibuf [dreg:s7], $0x2FFFF;
	_ =	strace $0x9FFFFFFF  }
0xc3: {  	(tm) =	ssettm $0x7FFFFFFF  }
tec
execute0_lowered:
.L_overlay_start_1:
0x0: {  	(tag) =	ssettag $0x1  }
0x1: {  	s1 =	rddreg [dreg:$0x0];
	s3 =	srdreg.scid  }
0x2: {  	s0 =	stileid.u32;
	s2 =	rddreg [dreg:$0x1]  }
0x3: {  	s4 =	simm.s32 $0x0;
	s20 =	simm.s32 $0x1;
	s21 =	simm.s32 $0x50  }
0x4: {  	s22 =	simm.s32 $0x9C40;
	s29 =	simm.s32 $0xB040;
	s30 =	simm.s32 $0xA0  }
0x5: {  	s9 =	sand.u32 $0x1, s3;
	s5 =	smul.u32 $0x4E20, s0;
	s3 =	rddreg [dreg:$0x2]  }
0x6: {  	s31 =	simm.s32 $0xF0;
	[smem:$0x7FF] =	sst s4;
	s12 =	smul.u32 $0x27000, s0  }
0x7: {  	s7 =	sadd.s32 $0x99400, s1;
	s8 =	sadd.s32 $0xC1A00, s1;
	s16 =	smul.u32 $0x9C00, s0  }
0x8: {  	p0 =	seq.s32 s0, $0xF;
	s6 =	smul.u32 $0x4E200, s9;
	s13 =	ssub.s32 $0x2, s9  }
0x9: {  	_ =	strace $0x8000004A;
	s14 =	smul.u32 $0x9C400, s9;
	s15 =	sshrl.u32 s13, $0x1  }
0xa: {  	s23 =	sshrl.u32 s12, $0x2;
	s12 =	smul.u32 $0x2710, s9;
	s9 =	simm.s32 $0x4  }
0xb: {  	s6 =	sadd.s32 s5, s6;
	s5 =	sshrl.u32 s5, $0x3;
	s13 =	ssub.s32 s13, s15  }
0xc: {  	s24 =	sadd.s32 s16, s14;
	s15 =	sadd.s32 $0x92400, s3;
	s26 =	sshrl.u32 s14, $0x3  }
0xd: {  	s14 =	sadd.s32 s16, s3;
	s16 =	simm.s32 $0x3;
	s6 =	sshrl.u32 s6, $0x3  }
0xe: {  	s11 =	sadd.s32 s5, s1;
	s5 =	sadd.s32 $0x6D200, s1;
	s17 =	sshrl.u32 s24, $0x3  }
0xf: {  	s28 =	smax.u32 s13, $0x1;
	s13 =	simm.s32 $0x1FC4;
	s10 =	sadd.s32 s6, s1  }
0x10: {  	s6 =	sadd.s32 $0x94400, s1;
	s11 =	sadd.s32 $0x1000, s11;
	[dreg:$0x8] =	wrdreg s28  }
0x11: {  	s1 =	sadd.s32 $0x9A800, s1;
	s10 =	sadd.s32 $0xB600, s10;
	[dreg:$0x5] =	wrdreg s11  }
0x12: {  	s11 =	smul.u32 $0x270, s0;
	s25 =	sadd.s32 s1, s17;
	s1 =	sadd.s32 s1, s26  }
0x13: {  	s17 =	sshrl.u32 @p0 s15, $0x3;
	s26 =	simm.s32 $0xC440;
	[dreg:$0x4] =	wrdreg s10  }
0x14: {  	s10 =	sadd.s32 s23, s3;
	[dreg:$0x6] =	wrdreg s25;
	s1 =	sadd.s32 $0x12480, s1  }
0x15: {  	s25 =	sshrl.u32 @!p0 s14, $0x3;
	[dreg:$0x7] =	wrdreg s1;
	s1 =	sshll.u32 @!p0 s0, $0x6  }
0x16: {  	s14 =	simm.s32 $0x0;
	s18 =	sor.u32 @!p0 $0x1C04, s1;
	s1 =	sshrl.u32 @!p0 s10, $0x3  }
0x17: {  	s10 =	simm.s32 $0x11440;
	[dreg:$0x9] =	wrdreg s1;
	s1 =	simm.s32 $0x2  }
.LBB2_1:
0x18: {  	s15 =	rddreg [dreg:$0x4]  }
0x19: {  	[tilespmem:s4], [sflag:$0x1] =	stream.linear.gather [hbm4b:s15+s4], $0x4E20, $0x38;
	[tilespmem:$0x1BA80] =	vst v63  }
0x1a: {  	s28 =	rddreg [dreg:$0x5];
	s19 =	simm.s32 $0x4E20;
	s15 =	simm.s32 @p0 $0x1FC4  }
0x1b: {  	[tilespmem:s19], [sflag:$0x1] =	stream.linear.gather [hbm4b:s28+s4], $0x4E20, $0x38;
	[tilespmem:$0x1BA80] =	vst v63  }
0x1c: {  	[spmem:s17], [sflag:s15] =	dma.local @p0 [hbm:s7], $0x1400  }
0x1d: {  	s15 =	simm.s32 @p0 $0x4  }
0x1e: {  	_ =	swait.ge @p0 [sflag:s15], $0x1400  }
0x1f: {  	[sflag:s15] =	ssyncset.done @p0 $0x0  }
0x20: {  	[sflag:s15] =	ssyncadd.s32 @p0 $0xFFFFEC00;
	s15 =	rddreg [dreg:$0x9]  }
0x21: {  	[spmem:s15], [sflag:s18] =	dma.local @!p0 [hbm:s7], $0x1380  }
0x22: {  	s15 =	simm.s32 @!p0 $0x4  }
0x23: {  	_ =	swait.ge @!p0 [sflag:s15], $0x1380  }
0x24: {  	[sflag:s15] =	ssyncset.done @!p0 $0x0  }
0x25: {  	[sflag:s15] =	ssyncadd.s32 @!p0 $0xFFFFEC80  }
0x26: {  	_ =	swait.ge [sflag:s20], $0x4E20  }
0x27: {  	[sflag:s20] =	ssyncset.done $0x0  }
0x28: {  	[sflag:s20] =	ssyncadd.s32 $0xFFFFB1E0  }
0x29: {  	_ =	swait.ge [sflag:s20], $0x4E20  }
0x2a: {  	[sflag:s20] =	ssyncset.done $0x0  }
0x2b: {  	[sflag:s20] =	ssyncadd.s32 $0xFFFFB1E0  }
0x2c: {  	[bflag:$0x0] =	sbarrier.arrive $0xFFFF  }
0x2d: {  	[tilespmem:s22], [sflag:$0x2] =	stream.indirect.gather [hbm4b:s2+s21], $0x40, s4, s21, $0xb8;
	[tilespmem:$0x1BA80] =	vst v63  }
0x2e: {  	_ = 	snop  }
0x2f: {  	[tilespmem:s29], [sflag:$0x2] =	stream.indirect.gather [hbm4b:s2+s21], $0x40, s21, s21, $0xb8;
	[tilespmem:$0x1BA80] =	vst v63  }
0x30: {  	_ = 	snop  }
0x31: {  	[tilespmem:s26], [sflag:$0x2] =	stream.indirect.gather [hbm4b:s2+s21], $0x40, s30, s21, $0xb8;
	[tilespmem:$0x1BA80] =	vst v63  }
0x32: {  	s23 =	simm.s32 $0x0;
	s19 =	simm.s32 $0x4E20;
	s29 =	simm.s32 $0xD840  }
0x33: {  	[tilespmem:s29], [sflag:$0x2] =	stream.indirect.gather [hbm4b:s2+s21], $0x40, s31, s21, $0xb8;
	[tilespmem:$0x1BA80] =	vst v63  }
0x34: {  	s15 =	simm.s32 $0x190;
	s30 =	simm.s32 $0x140;
	s31 =	simm.s32 $0xEC40  }
0x35: {  	[tilespmem:s31], [sflag:$0x2] =	stream.indirect.gather [hbm4b:s2+s21], $0x40, s30, s21, $0xb8;
	[tilespmem:$0x1BA80] =	vst v63  }
.LBB2_2:
0x36: {  	p1 =	seq.s32 s23, $0x0  }
0x37: {  	s24 =	simm.s32 @!p1 $0x3  }
0x38: {  	p2 =	sgt.u32 @!p1 s23, $0xF4;
	_ =	swait.ge @!p1 [sflag:s24], $0x1400  }
0x39: {  	p2 =	por p1, !p2;
	[sflag:s24] =	ssyncset.done @!p1 $0x0  }
0x3a: {  	[sflag:s24] =	ssyncadd.s32 @!p1 $0xFFFFEC00;
	s24 =	sadd.s32 @p2 $0x5, s23  }
0x3b: {  	s28 =	smul.u32 @p2 $0xAB, s24;
	_ =	sdelay $0x1  }
0x3c: {  	s28 =	sshrl.u32 @p2 s28, $0xA  }
0x3d: {  	s28 =	sand.u32 @p2 $0x3F, s28  }
0x3e: {  	s28 =	smul.u32 @p2 $0x6, s28;
	_ =	sdelay $0x1  }
0x3f: {  	s24 =	ssub.s32 @p2 s24, s28  }
0x40: {  	s24 =	sand.u32 @p2 $0xFF, s24  }
0x41: {  	s24 =	smul.u32 @p2 $0x5000, s24;
	_ =	sdelay $0x1  }
0x42: {  	s24 =	sshrl.u32 @p2 s24, $0x2  }
0x43: {  	s31 =	smul.u32 $0xAB, s23;
	s24 =	sadd.s32 @p2 $0x9C40, s24  }
0x44: {  	[tilespmem:s24], [sflag:$0x2] =	stream.indirect.gather @p2 [hbm4b:s2+s21], $0x40, s15, s21, $0xb8;
	[tilespmem:$0x1BA80] =	vst v63  }
0x45: {  	s24 =	sshrl.u32 s31, $0xA  }
0x46: {  	s24 =	sand.u32 $0x3F, s24  }
0x47: {  	s24 =	smul.u32 $0x6, s24;
	_ =	sdelay $0x1  }
0x48: {  	s24 =	ssub.s32 s23, s24  }
0x49: {  	s23 =	sadd.s32 $0x1, s23;
	s24 =	sand.u32 $0xFF, s24  }
0x4a: {  	p1 =	sne.s32 s23, $0xFA;
	s24 =	smul.u32 $0x5000, s24  }
.Ltmp0:
0x4b: {  	_ =	swait.ge [sflag:s1], $0x1400;
	(pc) =	sbr.rel @p1 .LBB2_2-.Ltmp0, $4  }
0x4c: {  	[sflag:s1] =	ssyncset.done $0x0;
	s24 =	sshrl.u32 s24, $0x2  }
0x4d: {  	[sflag:s1] =	ssyncadd.s32 $0xFFFFEC00;
	s24 =	sadd.s32 $0x9C40, s24  }
0x4e: {  	[spmem:s3] =	stream.indirect.scatter.add.f32 [tilespmem:s24], [sflag:$0x3], $0x40, s19, s21, $0xb8;
	[tilespmem:$0x1BA80] =	vst v63  }
0x4f: {  	s15 =	sadd.s32 $0x50, s15;
	s19 =	sadd.s32 $0x50, s19  }
.Ltmp1:
0x50: {  	_ =	swait.ge [sflag:s16], $0x1400;
	(pc) =	sbr.rel @!p0 .LBB2_4-.Ltmp1, $4  }
0x51: {  	[sflag:s16] =	ssyncset.done $0x0  }
0x52: {  	[sflag:s16] =	ssyncadd.s32 $0xFFFFEC00  }
0x53: {  	[bflag:$0x0] =	sbarrier.arrive $0xFFFF  }
0x54: {  	s15 =	simm.s32 $0x0;
	s23 =	simm.s32 $0x0;
	s24 =	simm.s32 $0x0  }
.LBB2_7:
0x55: {  	s19 =	smul.u32 $0xA0, s24;
	_ =	sdelay $0x1  }
0x56: {  	s28 =	sadd.s32 $0x2490, s19  }
0x57: {  	s19 =	sshll.u32 s28, $0x6  }
0x58: {  	s19 =	sand.u32 $0x3FFFFC00, s19  }
0x59: {  	s23 =	sadd.s32 s19, s3  }
0x5a: {  	[tilespmem:s22], [sflag:$0x4] =	stream.linear.gather [spmem:s23], $0x2800, $0x38;
	[tilespmem:$0x1BA80] =	vst v63  }
0x5b: {  	s19 =	sadd.s32 s12, s28;
	_ =	swait.ge [sflag:s9], $0x2800  }
0x5c: {  	s19 =	sshll.u32 s19, $0x3;
	[sflag:s9] =	ssyncset.done $0x0  }
0x5d: {  	s29 =	sadd.s32 s5, s19;
	[sflag:s9] =	ssyncadd.s32 $0xFFFFD800  }
0x5e: {  	[tilespmem:s26], [sflag:$0x4] =	stream.linear.gather [hbm4b:s29+s15], $0x2800, $0x38;
	[tilespmem:$0x1BA80] =	vst v63  }
0x5f: {  	_ =	swait.ge [sflag:s9], $0x2800  }
0x60: {  	s28 =	sshll.u32 s28, $0x1;
	[sflag:s9] =	ssyncset.done $0x0  }
0x61: {  	s28 =	sadd.s32 s6, s28;
	[sflag:s9] =	ssyncadd.s32 $0xFFFFD800  }
0x62: {  	[tilespmem:s10], [sflag:$0x4] =	stream.linear.gather [hbm4b:s28+s15], $0xA00, $0x38;
	[tilespmem:$0x1BA80] =	vst v63  }
0x63: {  	_ =	swait.ge [sflag:s9], $0xA00  }
0x64: {  	[sflag:s9] =	ssyncset.done $0x0  }
0x65: {  	s29 =	simm.s32 $0xC470;
	[sflag:s9] =	ssyncadd.s32 $0xFFFFF600  }
0x66: {  	v0 =	vld [tilespmem:s29+$0xFFFFFFF0]  }
0x67: {  	v1 =	vld [tilespmem:s29+$0xFFFFD7D0]  }
0x68: {  	v2 =	vld [tilespmem:s29+$0xFFFFD7E0]  }
0x69: {  	v3 =	vld [tilespmem:s29+$0xFFFFD7F0]  }
0x6a: {  	s31 =	simm.s32 $0x0;
	s30 =	simm.s32 $0x40;
	s28 =	simm.s32 $0xC470;
	v4 =	vld [tilespmem:s29+$0xFFFFD800]  }
.LBB2_8:
0x6b: {  	p1 =	sne.s32 s30, $0x27C0;
	v5 =	vld [tilespmem:s31+$0x11440]  }
0x6c: {  	v6 =	vld [tilespmem:s29+$0xFFFFFFE0]  }
0x6d: {  	v7 =	vld [tilespmem:s29+$0xFFFFFFD0]  }
0x6e: {  	v8 =	vld [tilespmem:s29+$0x0];
	_ =	sdelay $0x1  }
0x6f: {  	v1 =	vmul.f32 v1, v5;
	v2 =	vmul.f32 v2, v5  }
0x70: {  	v3 =	vmul.f32 v3, v5;
	v4 =	vmul.f32 v4, v5  }
0x71: {  	s29 =	sadd.s32 $0x40, s29;
	v5 =	vadd.f32 v7, v1;
	v6 =	vadd.f32 v6, v2  }
.Ltmp2:
0x72: {  	v7 =	vadd.f32 v0, v3;
	v0 =	vld [tilespmem:s29+$0xFFFFFFF0];
	v8 =	vadd.f32 v8, v4;
	(pc) =	sbr.rel @p1 .LBB2_8-.Ltmp2, $4  }
0x73: {  	v1 =	vld [tilespmem:s29+$0xFFFFD7D0];
	[tilespmem:s28+$0xFFFFFFD0] =	vst v5  }
0x74: {  	v2 =	vld [tilespmem:s29+$0xFFFFD7E0];
	[tilespmem:s28+$0xFFFFFFE0] =	vst v6  }
0x75: {  	v3 =	vld [tilespmem:s29+$0xFFFFD7F0];
	[tilespmem:s28+$0xFFFFFFF0] =	vst v7  }
0x76: {  	s31 =	sshra.s32 s30, $0x2;
	s30 =	sadd.s32 $0x40, s30;
	v4 =	vld [tilespmem:s29+$0xFFFFD800];
	[tilespmem:s28+$0x0] =	vst v8;
	s28 =	smov.u32 s29  }
0x77: {  	v5 =	vld [tilespmem:s31+$0x11440];
	_ =	sdelay $0x1  }
0x78: {  	v6 =	vld [tilespmem:s29+$0xFFFFFFD0]  }
0x79: {  	v7 =	vld [tilespmem:s29+$0xFFFFFFE0];
	_ =	sdelay $0x1  }
0x7a: {  	v8 =	vld [tilespmem:s29+$0x0];
	v1 =	vmul.f32 v1, v5  }
0x7b: {  	v2 =	vmul.f32 v2, v5  }
0x7c: {  	v3 =	vmul.f32 v3, v5;
	v1 =	vadd.f32 v6, v1  }
0x7d: {  	v4 =	vmul.f32 v4, v5;
	v2 =	vadd.f32 v7, v2  }
0x7e: {  	v0 =	vadd.f32 v0, v3;
	[tilespmem:s28+$0xFFFFFFD0] =	vst v1  }
0x7f: {  	v63 =	vadd.f32 v8, v4;
	[tilespmem:s28+$0xFFFFFFE0] =	vst v2  }
0x80: {  	[tilespmem:s28+$0xFFFFFFF0] =	vst v0  }
0x81: {  	s19 =	sadd.s32 s8, s19;
	[tilespmem:s28+$0x0] =	vst v63  }
0x82: {  	[hbm4b:s19+s4] =	stream.linear.scatter [tilespmem:s26], [sflag:$0x4], $0x2800, $0x38;
	[tilespmem:$0x1BA80] =	vst v63  }
0x83: {  	_ =	swait.ge [sflag:s9], $0x2800  }
0x84: {  	s24 =	sadd.s32 $0x1, s24;
	[sflag:s9] =	ssyncset.done $0x0  }
0x85: {  	s31 =	sshrl.u32 s23, $0x3;
	p1 =	sne.s32 s24, $0x4;
	[sflag:s9] =	ssyncadd.s32 $0xFFFFD800  }
0x86: {  	[spmem:s31], [sflag:s13] =	dma.local [hbm:s7], $0x500  }
.Ltmp3:
0x87: {  	_ = 	snop;
	(pc) =	sbr.rel @p1 .LBB2_7-.Ltmp3, $4  }
.Ltmp4:
0x88: {  	_ = 	snop;
	(pc) =	sbr.rel @!p1 .LBB2_10-.Ltmp4, $4  }
0x89: {  	_ =	swait.ge [sflag:s9], $0x500  }
0x8a: {  	[sflag:s9] =	ssyncset.done $0x0  }
0x8b: {  	[sflag:s9] =	ssyncadd.s32 $0xFFFFFB00  }
0x8c: {  	_ = 	snop  }
.LBB2_4:
0x8d: {  	s19 =	smul.u32 $0x9C, s23;
	_ =	sdelay $0x1  }
0x8e: {  	s28 =	sadd.s32 s11, s19  }
0x8f: {  	s19 =	sshll.u32 s28, $0x6  }
0x90: {  	s19 =	sand.u32 $0x3FFFFFC0, s19  }
0x91: {  	s24 =	sadd.s32 s19, s3  }
0x92: {  	[tilespmem:s22], [sflag:$0x4] =	stream.linear.gather [spmem:s24], $0x2700, $0x38;
	[tilespmem:$0x1BA80] =	vst v63  }
0x93: {  	s19 =	sadd.s32 s12, s28;
	_ =	swait.ge [sflag:s9], $0x2700  }
0x94: {  	s19 =	sshll.u32 s19, $0x3;
	[sflag:s9] =	ssyncset.done $0x0  }
0x95: {  	s29 =	sadd.s32 s5, s19;
	[sflag:s9] =	ssyncadd.s32 $0xFFFFD900  }
0x96: {  	[tilespmem:s26], [sflag:$0x4] =	stream.linear.gather [hbm4b:s29+s15], $0x2700, $0x38;
	[tilespmem:$0x1BA80] =	vst v63  }
0x97: {  	_ =	swait.ge [sflag:s9], $0x2700  }
0x98: {  	s28 =	sshll.u32 s28, $0x1;
	[sflag:s9] =	ssyncset.done $0x0  }
0x99: {  	s28 =	sadd.s32 s6, s28;
	[sflag:s9] =	ssyncadd.s32 $0xFFFFD900  }
0x9a: {  	[tilespmem:s10], [sflag:$0x4] =	stream.linear.gather [hbm4b:s28+s15], $0x9C0, $0x38;
	[tilespmem:$0x1BA80] =	vst v63  }
0x9b: {  	_ =	swait.ge [sflag:s9], $0x9C0  }
0x9c: {  	[sflag:s9] =	ssyncset.done $0x0  }
0x9d: {  	s29 =	simm.s32 $0xC470;
	[sflag:s9] =	ssyncadd.s32 $0xFFFFF640  }
0x9e: {  	v0 =	vld [tilespmem:s29+$0xFFFFFFF0]  }
0x9f: {  	v1 =	vld [tilespmem:s29+$0xFFFFD7D0]  }
0xa0: {  	v2 =	vld [tilespmem:s29+$0xFFFFD7E0]  }
0xa1: {  	v3 =	vld [tilespmem:s29+$0xFFFFD7F0]  }
0xa2: {  	s31 =	simm.s32 $0x0;
	s30 =	simm.s32 $0x40;
	s28 =	simm.s32 $0xC470;
	v4 =	vld [tilespmem:s29+$0xFFFFD800]  }
.LBB2_5:
0xa3: {  	p1 =	sne.s32 s30, $0x26C0;
	v5 =	vld [tilespmem:s31+$0x11440]  }
0xa4: {  	v6 =	vld [tilespmem:s29+$0xFFFFFFE0]  }
0xa5: {  	v7 =	vld [tilespmem:s29+$0xFFFFFFD0]  }
0xa6: {  	v8 =	vld [tilespmem:s29+$0x0];
	_ =	sdelay $0x1  }
0xa7: {  	v1 =	vmul.f32 v1, v5;
	v2 =	vmul.f32 v2, v5  }
0xa8: {  	v3 =	vmul.f32 v3, v5;
	v4 =	vmul.f32 v4, v5  }
0xa9: {  	s29 =	sadd.s32 $0x40, s29;
	v5 =	vadd.f32 v7, v1;
	v6 =	vadd.f32 v6, v2  }
.Ltmp5:
0xaa: {  	v7 =	vadd.f32 v0, v3;
	v0 =	vld [tilespmem:s29+$0xFFFFFFF0];
	v8 =	vadd.f32 v8, v4;
	(pc) =	sbr.rel @p1 .LBB2_5-.Ltmp5, $4  }
0xab: {  	v1 =	vld [tilespmem:s29+$0xFFFFD7D0];
	[tilespmem:s28+$0xFFFFFFD0] =	vst v5  }
0xac: {  	v2 =	vld [tilespmem:s29+$0xFFFFD7E0];
	[tilespmem:s28+$0xFFFFFFE0] =	vst v6  }
0xad: {  	v3 =	vld [tilespmem:s29+$0xFFFFD7F0];
	[tilespmem:s28+$0xFFFFFFF0] =	vst v7  }
0xae: {  	s31 =	sshra.s32 s30, $0x2;
	s30 =	sadd.s32 $0x40, s30;
	v4 =	vld [tilespmem:s29+$0xFFFFD800];
	[tilespmem:s28+$0x0] =	vst v8;
	s28 =	smov.u32 s29  }
0xaf: {  	v5 =	vld [tilespmem:s31+$0x11440];
	_ =	sdelay $0x1  }
0xb0: {  	v6 =	vld [tilespmem:s29+$0xFFFFFFD0]  }
0xb1: {  	v7 =	vld [tilespmem:s29+$0xFFFFFFE0];
	_ =	sdelay $0x1  }
0xb2: {  	v8 =	vld [tilespmem:s29+$0x0];
	v1 =	vmul.f32 v1, v5  }
0xb3: {  	v2 =	vmul.f32 v2, v5  }
0xb4: {  	v3 =	vmul.f32 v3, v5;
	v1 =	vadd.f32 v6, v1  }
0xb5: {  	v4 =	vmul.f32 v4, v5;
	v2 =	vadd.f32 v7, v2  }
0xb6: {  	v0 =	vadd.f32 v0, v3;
	[tilespmem:s28+$0xFFFFFFD0] =	vst v1  }
0xb7: {  	v63 =	vadd.f32 v8, v4;
	[tilespmem:s28+$0xFFFFFFE0] =	vst v2  }
0xb8: {  	[tilespmem:s28+$0xFFFFFFF0] =	vst v0  }
0xb9: {  	s19 =	sadd.s32 s8, s19;
	[tilespmem:s28+$0x0] =	vst v63  }
0xba: {  	[hbm4b:s19+s4] =	stream.linear.scatter [tilespmem:s26], [sflag:$0x4], $0x2700, $0x38;
	[tilespmem:$0x1BA80] =	vst v63  }
0xbb: {  	s31 =	sshll.u32 s0, $0x6;
	s23 =	sadd.s32 $0x1, s23;
	_ =	swait.ge [sflag:s9], $0x2700  }
0xbc: {  	s24 =	sshrl.u32 s24, $0x3;
	p1 =	seq.s32 s23, $0x4;
	[sflag:s9] =	ssyncset.done $0x0  }
.Ltmp6:
0xbd: {  	s19 =	sor.u32 $0x1C04, s31;
	[sflag:s9] =	ssyncadd.s32 $0xFFFFD900;
	(pc) =	sbr.rel @!p1 .LBB2_4-.Ltmp6, $4  }
0xbe: {  	[spmem:s24], [sflag:s19] =	dma.local [hbm:s7], $0x4E0  }
0xbf: {  	_ =	swait.ge [sflag:s9], $0x4E0  }
0xc0: {  	[sflag:s9] =	ssyncset.done $0x0  }
0xc1: {  	[sflag:s9] =	ssyncadd.s32 $0xFFFFFB20  }
.LBB2_10:
0xc2: {  	[bflag:$0x0] =	sbarrier.arrive $0xFFFF;
	s15 =	simm.s32 $0x0  }
0xc3: {  	[tilespmem:s22], [sflag:$0x2] =	stream.indirect.gather [hbm4b:s8+s21], $0x40, s15, s21, $0xb8;
	[tilespmem:$0x1BA80] =	vst v63  }
0xc4: {  	s29 =	simm.s32 $0xB040  }
0xc5: {  	[tilespmem:s29], [sflag:$0x2] =	stream.indirect.gather [hbm4b:s8+s21], $0x40, s21, s21, $0xb8;
	[tilespmem:$0x1BA80] =	vst v63  }
0xc6: {  	s30 =	simm.s32 $0xA0  }
0xc7: {  	[tilespmem:s26], [sflag:$0x2] =	stream.indirect.gather [hbm4b:s8+s21], $0x40, s30, s21, $0xb8;
	[tilespmem:$0x1BA80] =	vst v63  }
0xc8: {  	s31 =	simm.s32 $0xF0;
	s19 =	simm.s32 $0xD840  }
0xc9: {  	[tilespmem:s19], [sflag:$0x2] =	stream.indirect.gather [hbm4b:s8+s21], $0x40, s31, s21, $0xb8;
	[tilespmem:$0x1BA80] =	vst v63  }
0xca: {  	s28 =	simm.s32 $0x140;
	s23 =	simm.s32 $0xEC40  }
0xcb: {  	[tilespmem:s23], [sflag:$0x2] =	stream.indirect.gather [hbm4b:s8+s21], $0x40, s28, s21, $0xb8;
	[tilespmem:$0x1BA80] =	vst v63  }
0xcc: {  	s19 =	simm.s32 $0x4E20;
	s23 =	simm.s32 $0x190  }
.LBB2_11:
0xcd: {  	p1 =	seq.s32 s15, $0x0  }
0xce: {  	s24 =	simm.s32 @!p1 $0x3  }
0xcf: {  	p2 =	sgt.u32 @!p1 s15, $0xF4;
	_ =	swait.ge @!p1 [sflag:s24], $0x1400  }
0xd0: {  	p2 =	por p1, !p2;
	[sflag:s24] =	ssyncset.done @!p1 $0x0  }
0xd1: {  	[sflag:s24] =	ssyncadd.s32 @!p1 $0xFFFFEC00;
	s24 =	sadd.s32 @p2 $0x5, s15  }
0xd2: {  	s28 =	smul.u32 @p2 $0xAB, s24;
	_ =	sdelay $0x1  }
0xd3: {  	s28 =	sshrl.u32 @p2 s28, $0xA  }
0xd4: {  	s28 =	sand.u32 @p2 $0x3F, s28  }
0xd5: {  	s28 =	smul.u32 @p2 $0x6, s28;
	_ =	sdelay $0x1  }
0xd6: {  	s24 =	ssub.s32 @p2 s24, s28  }
0xd7: {  	s24 =	sand.u32 @p2 $0xFF, s24  }
0xd8: {  	s24 =	smul.u32 @p2 $0x5000, s24;
	_ =	sdelay $0x1  }
0xd9: {  	s24 =	sshrl.u32 @p2 s24, $0x2  }
0xda: {  	s28 =	smul.u32 $0xAB, s15;
	s24 =	sadd.s32 @p2 $0x9C40, s24  }
0xdb: {  	[tilespmem:s24], [sflag:$0x2] =	stream.indirect.gather @p2 [hbm4b:s8+s21], $0x40, s23, s21, $0xb8;
	[tilespmem:$0x1BA80] =	vst v63  }
0xdc: {  	s24 =	sshrl.u32 s28, $0xA  }
0xdd: {  	s24 =	sand.u32 $0x3F, s24  }
0xde: {  	s24 =	smul.u32 $0x6, s24;
	_ =	sdelay $0x1  }
0xdf: {  	s24 =	ssub.s32 s15, s24  }
0xe0: {  	s15 =	sadd.s32 $0x1, s15;
	s24 =	sand.u32 $0xFF, s24  }
0xe1: {  	p1 =	sne.s32 s15, $0xFA;
	s24 =	smul.u32 $0x5000, s24  }
.Ltmp7:
0xe2: {  	_ =	swait.ge [sflag:s1], $0x1400;
	(pc) =	sbr.rel @p1 .LBB2_11-.Ltmp7, $4  }
0xe3: {  	[sflag:s1] =	ssyncset.done $0x0;
	s24 =	sshrl.u32 s24, $0x2  }
0xe4: {  	[sflag:s1] =	ssyncadd.s32 $0xFFFFEC00;
	s24 =	sadd.s32 $0x9C40, s24  }
0xe5: {  	[spmem:s3] =	stream.indirect.scatter.add.f32 [tilespmem:s24], [sflag:$0x3], $0x40, s19, s21, $0xb8;
	[tilespmem:$0x1BA80] =	vst v63  }
0xe6: {  	s23 =	sadd.s32 $0x50, s23;
	s19 =	sadd.s32 $0x50, s19  }
0xe7: {  	_ =	swait.ge [sflag:s16], $0x1400  }
0xe8: {  	[sflag:s16] =	ssyncset.done $0x0  }
0xe9: {  	[sflag:s16] =	ssyncadd.s32 $0xFFFFEC00  }
0xea: {  	[bflag:$0x0] =	sbarrier.arrive $0xFFFF  }
0xeb: {  	s15 =	simm.s32 @p0 $0x1FC4;
	s19 =	rddreg [dreg:$0x7]  }
0xec: {  	[hbm:s19], [sflag:s15] =	dma.local @p0 [spmem:s17], $0x1400  }
0xed: {  	s15 =	simm.s32 @p0 $0x4  }
0xee: {  	_ =	swait.ge @p0 [sflag:s15], $0x1400  }
0xef: {  	[sflag:s15] =	ssyncset.done @p0 $0x0  }
0xf0: {  	[sflag:s15] =	ssyncadd.s32 @p0 $0xFFFFEC00;
	s15 =	rddreg [dreg:$0x6]  }
0xf1: {  	[hbm:s15], [sflag:s18] =	dma.local @!p0 [spmem:s25], $0x1380  }
0xf2: {  	s15 =	simm.s32 @!p0 $0x4  }
0xf3: {  	_ =	swait.ge @!p0 [sflag:s15], $0x1380  }
0xf4: {  	s14 =	sadd.s32 $0x1, s14;
	s28 =	rddreg [dreg:$0x8]  }
0xf5: {  	p1 =	sne.s32 s14, s28  }
.Ltmp8:
0xf6: {  	_ = 	snop;
	(pc) =	sbr.rel @p1 .LBB2_1-.Ltmp8, $3  }
0xf7: {  	_ =	sdelay $0x1  }
0xf8: {  	[sflag:s15] =	ssyncset.done @!p0 $0x0  }
0xf9: {  	[sflag:s15] =	ssyncadd.s32 @!p0 $0xFFFFEC80  }
0xfa: {  	_ =	sfence.sel $0x180000  }
0xfb: {  	[bflag:$0x0] =	sbarrier.arrive $0xFFFF  }
0xfc: {  	_ =	strace $0x9000004A  }
0xfd: {  	[bflag:$0x2] =	sbarrier.arrive $0xFFFF  }
0xfe: {  	p0 =	sne.s32 s0, $0x0;
	s0 =	rddreg [dreg:$0x3]  }
0xff: {  	s0 =	sadd.s32 @!p0 $0x100000, s0  }
0x100: {  	[sflag:s0] =	ssyncadd.tile.s32 @!p0 $0x1;
	_ =	shalt  }
.Lfunc_end2:
_tile_overlayer_lowered:
.L_overlay_start_2:
0x101: {  	(tag) =	ssettag $0x2  }
0x102: {  	s0 =	rddreg [dreg:$0x0];
	s2 =	stileid.u32  }
0x103: {  	s1 =	rddreg [dreg:$0x1];
	p0 =	sne.s32 s2, $0x0  }
0x104: {  	s3 =	rddreg [dreg:$0x2];
	[bflag:$0x3] =	sbarrier.arrive $0xFFFF;
	s2 =	simm.s32 @!p0 $0x1C04  }
0x105: {  	[timem:s3], [sflag:s2] =	dma.local @!p0 [hbm:s0], s1  }
0x106: {  	s0 =	simm.s32 @!p0 $0x4  }
0x107: {  	_ =	swait.ge @!p0 [sflag:s0], s1  }
0x108: {  	s1 =	ssub.s32 @!p0 $0x0, s1;
	[sflag:s0] =	ssyncset.done @!p0 $0x0  }
0x109: {  	[sflag:s0] =	ssyncadd.s32 @!p0 s1  }
0x10a: {  	[bflag:$0x3] =	sbarrier.arrive $0xFFFF  }
0x10b: {  	_ =	shalt  }

</sc_bundles>
